<compile_context>
chip_gen: v7x
topology: tpu7x:2x2x1
jax: 0.10.2.dev20260603
libtpu: 0.0.44.dev20260713+nightly
codegen_flags: <defaults>
</compile_context>

<pallas_src>
import functools

import jax
import jax.numpy as jnp
from jax import lax
from jax.experimental import pallas as pl
from jax.experimental.pallas import tpu as pltpu
from jax.experimental.pallas import tpu_sc as plsc

B, L, C = 1024, 20, 128
N = B * L
TPIX = 768
NC, NS = 2, 16
NW = NC * NS
PW = N // NW
CH = 128
CHG = 64
NCHUNK = PW // CHG
NCP = 8
EPS = 1e-5


def _norm_tables_body(sp, te, cf, ro, gs, bs, gt, bt, gc, bc, gr, br,
                      osp, ote, ocf, oro):
    def ln(x_ref, g_ref, b_ref, o_ref):
        x = x_ref[...]
        m = jnp.mean(x, axis=-1, keepdims=True)
        v = jnp.mean((x - m) ** 2, axis=-1, keepdims=True)
        o_ref[...] = (x - m) / jnp.sqrt(v + EPS) * g_ref[...][None, :] \
            + b_ref[...][None, :]
    ln(sp, gs, bs, osp)
    ln(te, gt, bt, ote)
    ln(cf, gc, bc, ocf)
    ln(ro, gr, br, oro)


def _norm_tables(spatial_pe, temporal_pe, cursor_fine_table, readout_table,
                 g_spatial, b_spatial, g_temporal, b_temporal,
                 g_cursor, b_cursor, g_readout, b_readout):
    outs = [jax.ShapeDtypeStruct(t.shape, jnp.float32)
            for t in (spatial_pe, temporal_pe, cursor_fine_table,
                      readout_table)]
    return pl.pallas_call(_norm_tables_body, out_shape=outs)(
        spatial_pe, temporal_pe, cursor_fine_table, readout_table,
        g_spatial, b_spatial, g_temporal, b_temporal,
        g_cursor, b_cursor, g_readout, b_readout)


def _sc_gather_body(sg, tg, cg, rg, tok,
                    ix_tile_yx, ix_tile_t, ix_token_x, ix_token_t,
                    ix_fine, ix_coarse, ix_cur_t, ix_ro_x, ix_ro_t,
                    pe_tile, tok_raw, pe_tok, cur_e, ro_e,
                    v_tile_yx, v_tile_t, v_token_x, v_token_t,
                    v_fine, v_coarse, v_cur_t, v_ro_x, v_ro_t,
                    sh_sg, sh_tg, sh_cg, sh_rg,
                    b1, b2, b3, b4, b5, b6, b7, b8, b9,
                    s1, s2, s3, s4, s5, s6, s7, s8, s9, ss):
    wid = lax.axis_index("s") * NC + lax.axis_index("c")
    ibase = wid * NCP

    @pl.when(lax.axis_index("s") == 0)
    def _():
        pltpu.sync_copy(sg, sh_sg)
        pltpu.sync_copy(tg, sh_tg)
        pltpu.sync_copy(cg, sh_cg)
        pltpu.sync_copy(rg, sh_rg)
    plsc.subcore_barrier()

    for hbm, vm in ((ix_tile_yx, v_tile_yx), (ix_tile_t, v_tile_t),
                    (ix_token_x, v_token_x), (ix_token_t, v_token_t),
                    (ix_fine, v_fine), (ix_coarse, v_coarse),
                    (ix_cur_t, v_cur_t), (ix_ro_x, v_ro_x),
                    (ix_ro_t, v_ro_t)):
        pltpu.sync_copy(hbm.at[pl.ds(ibase, NCP)], vm)

    def acc2(dst, src):
        def row(i, _):
            for c in range(8):
                sl = (i, pl.ds(c * 16, 16))
                plsc.addupdate(dst.at[sl], src[sl])
            return 0
        lax.fori_loop(0, CHG, row, 0)

    def store_set(off):
        return ((b1, pe_tile), (b3, tok_raw), (b4, pe_tok),
                (b5, cur_e), (b8, ro_e)), off

    def chunk(j, carry):
        out_off = wid * PW + j * CHG
        row, half = j // 2, (j % 2) * CHG

        @pl.when(j > 0)
        def _():
            pairs, _ = store_set(out_off - CHG)
            for buf, out_ref in pairs:
                pltpu.make_async_copy(
                    buf, out_ref.at[pl.ds(out_off - CHG, CHG)], ss).wait()

        def gth(tbl, vm, buf, sem):
            return pltpu.async_copy(
                tbl.at[vm.at[row, pl.ds(half, CHG)]], buf, sem)

        def sto(buf, out_ref):
            pltpu.async_copy(buf, out_ref.at[pl.ds(out_off, CHG)], ss)

        c1 = gth(sh_sg, v_tile_yx, b1, s1)
        c2 = gth(sh_tg, v_tile_t, b2, s2)
        c3 = gth(tok, v_token_x, b3, s3)
        c4 = gth(sh_tg, v_token_t, b4, s4)
        c5 = gth(sh_cg, v_fine, b5, s5)
        c6 = gth(sh_sg, v_coarse, b6, s6)
        c7 = gth(sh_tg, v_cur_t, b7, s7)
        c8 = gth(sh_rg, v_ro_x, b8, s8)
        c9 = gth(sh_tg, v_ro_t, b9, s9)
        c1.wait()
        c2.wait()
        acc2(b1, b2)
        sto(b1, pe_tile)
        c3.wait()
        sto(b3, tok_raw)
        c4.wait()
        sto(b4, pe_tok)
        c5.wait()
        c6.wait()
        acc2(b5, b6)
        c7.wait()
        acc2(b5, b7)
        sto(b5, cur_e)
        c8.wait()
        c9.wait()
        acc2(b8, b9)
        sto(b8, ro_e)
        return carry

    lax.fori_loop(0, NCHUNK, chunk, 0)

    last_off = wid * PW + (NCHUNK - 1) * CHG
    for buf, out_ref in ((b1, pe_tile), (b3, tok_raw), (b4, pe_tok),
                         (b5, cur_e), (b8, ro_e)):
        pltpu.make_async_copy(buf, out_ref.at[pl.ds(last_off, CHG)],
                              ss).wait()


def _sc_gather(sg, tg, cg, rg, tok, idx_list):
    mesh = plsc.VectorSubcoreMesh(core_axis_name="c", subcore_axis_name="s")
    f32 = jnp.float32
    out_type = [jax.ShapeDtypeStruct((N, C), f32) for _ in range(5)]
    idx_vmem = [pltpu.VMEM((NCP, CH), jnp.int32) for _ in range(9)]
    shared = [pltpu.VMEM_SHARED((1024, C), f32),
              pltpu.VMEM_SHARED((512, C), f32),
              pltpu.VMEM_SHARED((512, C), f32),
              pltpu.VMEM_SHARED((4, C), f32)]
    scratch = idx_vmem + shared + [
        pltpu.VMEM((CHG, C), f32) for _ in range(9)] + [
        pltpu.SemaphoreType.DMA for _ in range(10)]
    run = pl.kernel(_sc_gather_body, out_type=out_type, mesh=mesh,
                    scratch_types=scratch)
    return run(sg, tg, cg, rg, tok, *idx_list)


FB = 32
FR = FB * L


NBLK = B // FB


def _finish_body(x_hbm, w_ref, bias_ref, gt_ref, bt_ref,
                 pt, tr, ptk, cu, ro, g, b, o, xbuf, sems):
    i = pl.program_id(0)

    def xcopy(blk, slot):
        return pltpu.make_async_copy(
            x_hbm.at[pl.ds(blk * FB, FB)], xbuf.at[slot], sems.at[slot])

    @pl.when(i == 0)
    def _():
        xcopy(0, 0).start()

    @pl.when(i + 1 < NBLK)
    def _():
        xcopy(i + 1, (i + 1) % 2).start()

    xcopy(i, i % 2).wait()

    def ln(y, gg, bb):
        m = jnp.mean(y, axis=-1, keepdims=True)
        v = jnp.mean((y - m) ** 2, axis=-1, keepdims=True)
        return (y - m) / jnp.sqrt(v + EPS) * gg[...][None, :] \
            + bb[...][None, :]

    r3 = lambda v: v.reshape(FB, L, C)
    x = xbuf[i % 2].astype(jnp.bfloat16).reshape(FR, TPIX)
    y = jnp.dot(x, w_ref[...].astype(jnp.bfloat16),
                preferred_element_type=jnp.float32)
    y = y + bias_ref[...][None, :]
    tile = r3(ln(y, gt_ref, bt_ref) + pt[...])
    token = r3(ln(tr[...], g, b) + ptk[...])
    cat = jnp.concatenate([tile, token, r3(cu[...]), r3(ro[...])], axis=1)
    o[...] = cat.reshape(FB * 4 * L, C)


def _finish(tile_x, tile_W, tile_b, g_tile, b_tile,
            pe_tile, tok_raw, pe_tok, cur_e, ro_e, g_token, b_token):
    grid = (NBLK,)
    spec2 = pl.BlockSpec((FR, C), lambda i: (i, 0))
    spec1 = pl.BlockSpec((C,), lambda i: (0,))
    out2 = pl.pallas_call(
        _finish_body,
        grid=grid,
        in_specs=[
            pl.BlockSpec(memory_space=pltpu.MemorySpace.HBM),
            pl.BlockSpec((TPIX, C), lambda i: (0, 0)),
            spec1, spec1, spec1,
            spec2, spec2, spec2, spec2, spec2, spec1, spec1,
        ],
        out_specs=pl.BlockSpec((FB * 4 * L, C), lambda i: (i, 0)),
        out_shape=jax.ShapeDtypeStruct((B * 4 * L, C), jnp.float32),
        scratch_shapes=[
            pltpu.VMEM((2, FB, L, TPIX), jnp.float32),
            pltpu.SemaphoreType.DMA((2,)),
        ],
    )(tile_x, tile_W, tile_b, g_tile, b_tile,
      pe_tile, tok_raw, pe_tok, cur_e, ro_e, g_token, b_token)
    return out2.reshape(B, 4 * L, C)


def kernel(tile_x, tile_yx, tile_t, token_x, token_t, cursor_fine_yxp,
           cursor_coarse_yx, cursor_t, readout_x, readout_t,
           tile_W, tile_b, token_table, cursor_fine_table, readout_table,
           spatial_pe, temporal_pe,
           g_tile, b_tile, g_token, b_token, g_cursor, b_cursor,
           g_readout, b_readout, g_spatial, b_spatial, g_temporal,
           b_temporal):
    sg, tg, cg, rg = _norm_tables(
        spatial_pe, temporal_pe, cursor_fine_table, readout_table,
        g_spatial, b_spatial, g_temporal, b_temporal,
        g_cursor, b_cursor, g_readout, b_readout)

    def ix(a):
        a = a.astype(jnp.int32).reshape(NW, PW // CH, CH)
        a = jnp.pad(a, ((0, 0), (0, NCP - PW // CH), (0, 0)))
        return a.reshape(NW * NCP, CH)

    idx_list = [ix(a) for a in (tile_yx, tile_t, token_x, token_t,
                                cursor_fine_yxp, cursor_coarse_yx,
                                cursor_t, readout_x, readout_t)]
    pe_tile, tok_raw, pe_tok, cur_e, ro_e = _sc_gather(
        sg, tg, cg, rg, token_table, idx_list)

    return _finish(tile_x, tile_W, tile_b, g_tile, b_tile,
                   pe_tile, tok_raw, pe_tok, cur_e, ro_e, g_token, b_token)

# --- scband reference (transcript-rebuilt; emitter-appended) ---
"""Pipeline reference for scband-auto-embedding-50148038148386 (READ-ONLY COPY).

The authoritative reference and input builder live on the scoring server;
editing this copy changes nothing except your own understanding.
"""

import jax, jax.numpy as jnp
import numpy as np


def _ln(x, g, b, eps=1e-5):
    m = jnp.mean(x, axis=-1, keepdims=True)
    v = jnp.var(x, axis=-1, keepdims=True)
    return (x - m) / jnp.sqrt(v + eps) * g + b


def setup_inputs(seed: int = 0):
    key = jax.random.key(seed)
    ks = jax.random.split(key, 16)
    B, L, C = 1024, 20, 128
    TPIX = 16 * 16 * 3
    VOCAB = 100000
    NSPATIAL = 1024
    MAXSTEPS = 512
    NCURSOR = 512
    NREADOUT = 4
    inp = {}
    inp['tile_x'] = jax.random.normal(ks[0], (B, L, TPIX), dtype=jnp.float32)
    inp['tile_yx'] = jax.random.randint(ks[1], (B, L), 0, NSPATIAL)
    inp['tile_t'] = jax.random.randint(ks[2], (B, L), 0, MAXSTEPS)
    inp['token_x'] = jax.random.randint(ks[3], (B, L), 0, VOCAB)
    inp['token_t'] = jax.random.randint(ks[4], (B, L), 0, MAXSTEPS)
    inp['cursor_fine_yxp'] = jax.random.randint(ks[5], (B, L), 0, NCURSOR)
    inp['cursor_coarse_yx'] = jax.random.randint(ks[6], (B, L), 0, NSPATIAL)
    inp['cursor_t'] = jax.random.randint(ks[7], (B, L), 0, MAXSTEPS)
    inp['readout_x'] = jax.random.randint(ks[8], (B, L), 0, NREADOUT)
    inp['readout_t'] = jax.random.randint(ks[9], (B, L), 0, MAXSTEPS)
    inp['tile_W'] = jax.random.normal(ks[10], (TPIX, C), dtype=jnp.float32) * 0.02
    inp['tile_b'] = jnp.zeros((C,), dtype=jnp.float32)
    inp['token_table'] = jax.random.normal(ks[11], (VOCAB, C), dtype=jnp.float32) * 0.02
    inp['cursor_fine_table'] = jax.random.normal(ks[12], (NCURSOR, C), dtype=jnp.float32) * 0.02
    inp['readout_table'] = jax.random.normal(ks[13], (NREADOUT, C), dtype=jnp.float32) * 0.02
    inp['spatial_pe'] = jax.random.normal(ks[14], (NSPATIAL, C), dtype=jnp.float32) * 0.02
    inp['temporal_pe'] = jax.random.normal(ks[15], (MAXSTEPS, C), dtype=jnp.float32) * 0.02
    for n in ['tile', 'token', 'cursor', 'readout', 'spatial', 'temporal']:
        inp['g_' + n] = jnp.ones((C,), dtype=jnp.float32)
        inp['b_' + n] = jnp.zeros((C,), dtype=jnp.float32)
    return inp


def reference(tile_x, tile_yx, tile_t, token_x, token_t, cursor_fine_yxp,
              cursor_coarse_yx, cursor_t, readout_x, readout_t,
              tile_W, tile_b, token_table, cursor_fine_table, readout_table,
              spatial_pe, temporal_pe,
              g_tile, b_tile, g_token, b_token, g_cursor, b_cursor,
              g_readout, b_readout, g_spatial, b_spatial, g_temporal, b_temporal):
    # tile stream: linear tile embedding + spatial + temporal positional encodings
    tile_e = _ln(jnp.einsum('blp,pc->blc', tile_x, tile_W) + tile_b, g_tile, b_tile)
    tile_e = tile_e + _ln(jnp.take(spatial_pe, tile_yx, axis=0), g_spatial, b_spatial)
    tile_e = tile_e + _ln(jnp.take(temporal_pe, tile_t, axis=0), g_temporal, b_temporal)
    # token stream: vocabulary embedding + temporal positional encoding
    token_e = _ln(jnp.take(token_table, token_x, axis=0), g_token, b_token)
    token_e = token_e + _ln(jnp.take(temporal_pe, token_t, axis=0), g_temporal, b_temporal)
    # cursor stream: fine embedding + coarse spatial + temporal
    cursor_e = _ln(jnp.take(cursor_fine_table, cursor_fine_yxp, axis=0), g_cursor, b_cursor)
    cursor_e = cursor_e + _ln(jnp.take(spatial_pe, cursor_coarse_yx, axis=0), g_spatial, b_spatial)
    cursor_e = cursor_e + _ln(jnp.take(temporal_pe, cursor_t, axis=0), g_temporal, b_temporal)
    # readout stream: readout embedding + temporal
    readout_e = _ln(jnp.take(readout_table, readout_x, axis=0), g_readout, b_readout)
    readout_e = readout_e + _ln(jnp.take(temporal_pe, readout_t, axis=0), g_temporal, b_temporal)
    return jnp.concatenate([tile_e, token_e, cursor_e, readout_e], axis=1)

if __name__ == "__main__":
    import jax
    _d = setup_inputs()
    print(jax.jit(kernel)(*tuple(_d.values())))

</pallas_src>

<mosaic_0001>
#map = affine_map<(d0, d1) -> (0, 0)>
module attributes {stable_mosaic.version = 14 : i64} {
  func.func @_sc_gather_body(%arg0: i32, %arg1: i32, %arg2: memref<1024x128xf32, #tpu.memory_space<hbm>>, %arg3: memref<512x128xf32, #tpu.memory_space<hbm>>, %arg4: memref<512x128xf32, #tpu.memory_space<hbm>>, %arg5: memref<4x128xf32, #tpu.memory_space<hbm>>, %arg6: memref<100000x128xf32, #tpu.memory_space<hbm>>, %arg7: memref<256x128xi32, #tpu.memory_space<hbm>>, %arg8: memref<256x128xi32, #tpu.memory_space<hbm>>, %arg9: memref<256x128xi32, #tpu.memory_space<hbm>>, %arg10: memref<256x128xi32, #tpu.memory_space<hbm>>, %arg11: memref<256x128xi32, #tpu.memory_space<hbm>>, %arg12: memref<256x128xi32, #tpu.memory_space<hbm>>, %arg13: memref<256x128xi32, #tpu.memory_space<hbm>>, %arg14: memref<256x128xi32, #tpu.memory_space<hbm>>, %arg15: memref<256x128xi32, #tpu.memory_space<hbm>>, %arg16: memref<20480x128xf32, #tpu.memory_space<hbm>>, %arg17: memref<20480x128xf32, #tpu.memory_space<hbm>>, %arg18: memref<20480x128xf32, #tpu.memory_space<hbm>>, %arg19: memref<20480x128xf32, #tpu.memory_space<hbm>>, %arg20: memref<20480x128xf32, #tpu.memory_space<hbm>>, %arg21: memref<8x128xi32, #tpu.memory_space<vmem>>, %arg22: memref<8x128xi32, #tpu.memory_space<vmem>>, %arg23: memref<8x128xi32, #tpu.memory_space<vmem>>, %arg24: memref<8x128xi32, #tpu.memory_space<vmem>>, %arg25: memref<8x128xi32, #tpu.memory_space<vmem>>, %arg26: memref<8x128xi32, #tpu.memory_space<vmem>>, %arg27: memref<8x128xi32, #tpu.memory_space<vmem>>, %arg28: memref<8x128xi32, #tpu.memory_space<vmem>>, %arg29: memref<8x128xi32, #tpu.memory_space<vmem>>, %arg30: memref<1024x128xf32, #tpu.memory_space<vmem_shared>>, %arg31: memref<512x128xf32, #tpu.memory_space<vmem_shared>>, %arg32: memref<512x128xf32, #tpu.memory_space<vmem_shared>>, %arg33: memref<4x128xf32, #tpu.memory_space<vmem_shared>>, %arg34: memref<64x128xf32, #tpu.memory_space<vmem>>, %arg35: memref<64x128xf32, #tpu.memory_space<vmem>>, %arg36: memref<64x128xf32, #tpu.memory_space<vmem>>, %arg37: memref<64x128xf32, #tpu.memory_space<vmem>>, %arg38: memref<64x128xf32, #tpu.memory_space<vmem>>, %arg39: memref<64x128xf32, #tpu.memory_space<vmem>>, %arg40: memref<64x128xf32, #tpu.memory_space<vmem>>, %arg41: memref<64x128xf32, #tpu.memory_space<vmem>>, %arg42: memref<64x128xf32, #tpu.memory_space<vmem>>, %arg43: memref<!tpu.dma_semaphore, #tpu.memory_space<semaphore_mem>>, %arg44: memref<!tpu.dma_semaphore, #tpu.memory_space<semaphore_mem>>, %arg45: memref<!tpu.dma_semaphore, #tpu.memory_space<semaphore_mem>>, %arg46: memref<!tpu.dma_semaphore, #tpu.memory_space<semaphore_mem>>, %arg47: memref<!tpu.dma_semaphore, #tpu.memory_space<semaphore_mem>>, %arg48: memref<!tpu.dma_semaphore, #tpu.memory_space<semaphore_mem>>, %arg49: memref<!tpu.dma_semaphore, #tpu.memory_space<semaphore_mem>>, %arg50: memref<!tpu.dma_semaphore, #tpu.memory_space<semaphore_mem>>, %arg51: memref<!tpu.dma_semaphore, #tpu.memory_space<semaphore_mem>>, %arg52: memref<!tpu.dma_semaphore, #tpu.memory_space<semaphore_mem>>) attributes {dimension_semantics = [#tpu.dimension_semantics<core_parallel>, #tpu.dimension_semantics<subcore_parallel>], iteration_bounds = array<i64: 2, 16>, scalar_prefetch = 0 : i64, scratch_operands = 32 : i64, tpu.core_type = #tpu.core_type<sc_vector_subcore>, window_params = [{transform_indices = #map}, {transform_indices = #map}, {transform_indices = #map}, {transform_indices = #map}, {transform_indices = #map}, {transform_indices = #map}, {transform_indices = #map}, {transform_indices = #map}, {transform_indices = #map}, {transform_indices = #map}, {transform_indices = #map}, {transform_indices = #map}, {transform_indices = #map}, {transform_indices = #map}, {transform_indices = #map}, {transform_indices = #map}, {transform_indices = #map}, {transform_indices = #map}, {transform_indices = #map}]} {
    %mul3A = arith.constant 2 : i32
    %mul3A_0 = arith.muli %arg1, %mul3A : i32
    %add3A = arith.addi %mul3A_0, %arg0 : i32
    %mul3A_1 = arith.constant 8 : i32
    %mul3A_2 = arith.muli %add3A, %mul3A_1 : i32
    %eq3A = arith.constant 0 : i32
    %eq3A_3 = arith.cmpi eq, %arg1, %eq3A : i32
    %convert_element_type3A = arith.extui %eq3A_3 : i1 to i32
    %cond3A = arith.constant 0 : i32
    %cond3A_4 = arith.cmpi ne, %convert_element_type3A, %cond3A : i32
    scf.if %cond3A_4 {
      "tpu.region"() ({
        %run_scoped3A = tpu.sem_alloc : memref<!tpu.dma_semaphore, #tpu.memory_space<semaphore_mem>>
        tpu.enqueue_dma source(%arg2 : memref<1024x128xf32, #tpu.memory_space<hbm>>) target(%arg30 : memref<1024x128xf32, #tpu.memory_space<vmem_shared>>) target_semaphore(%run_scoped3A : memref<!tpu.dma_semaphore, #tpu.memory_space<semaphore_mem>>)
        tpu.wait_dma2 semaphore(%run_scoped3A : memref<!tpu.dma_semaphore, #tpu.memory_space<semaphore_mem>>) src(%arg2 : memref<1024x128xf32, #tpu.memory_space<hbm>>) dst(%arg30 : memref<1024x128xf32, #tpu.memory_space<vmem_shared>>)
        tpu.yield
      }) : () -> ()
      "tpu.region"() ({
        %run_scoped3A = tpu.sem_alloc : memref<!tpu.dma_semaphore, #tpu.memory_space<semaphore_mem>>
        tpu.enqueue_dma source(%arg3 : memref<512x128xf32, #tpu.memory_space<hbm>>) target(%arg31 : memref<512x128xf32, #tpu.memory_space<vmem_shared>>) target_semaphore(%run_scoped3A : memref<!tpu.dma_semaphore, #tpu.memory_space<semaphore_mem>>)
        tpu.wait_dma2 semaphore(%run_scoped3A : memref<!tpu.dma_semaphore, #tpu.memory_space<semaphore_mem>>) src(%arg3 : memref<512x128xf32, #tpu.memory_space<hbm>>) dst(%arg31 : memref<512x128xf32, #tpu.memory_space<vmem_shared>>)
        tpu.yield
      }) : () -> ()
      "tpu.region"() ({
        %run_scoped3A = tpu.sem_alloc : memref<!tpu.dma_semaphore, #tpu.memory_space<semaphore_mem>>
        tpu.enqueue_dma source(%arg4 : memref<512x128xf32, #tpu.memory_space<hbm>>) target(%arg32 : memref<512x128xf32, #tpu.memory_space<vmem_shared>>) target_semaphore(%run_scoped3A : memref<!tpu.dma_semaphore, #tpu.memory_space<semaphore_mem>>)
        tpu.wait_dma2 semaphore(%run_scoped3A : memref<!tpu.dma_semaphore, #tpu.memory_space<semaphore_mem>>) src(%arg4 : memref<512x128xf32, #tpu.memory_space<hbm>>) dst(%arg32 : memref<512x128xf32, #tpu.memory_space<vmem_shared>>)
        tpu.yield
      }) : () -> ()
      "tpu.region"() ({
        %run_scoped3A = tpu.sem_alloc : memref<!tpu.dma_semaphore, #tpu.memory_space<semaphore_mem>>
        tpu.enqueue_dma source(%arg5 : memref<4x128xf32, #tpu.memory_space<hbm>>) target(%arg33 : memref<4x128xf32, #tpu.memory_space<vmem_shared>>) target_semaphore(%run_scoped3A : memref<!tpu.dma_semaphore, #tpu.memory_space<semaphore_mem>>)
        tpu.wait_dma2 semaphore(%run_scoped3A : memref<!tpu.dma_semaphore, #tpu.memory_space<semaphore_mem>>) src(%arg5 : memref<4x128xf32, #tpu.memory_space<hbm>>) dst(%arg33 : memref<4x128xf32, #tpu.memory_space<vmem_shared>>)
        tpu.yield
      }) : () -> ()
    } else {
    }
    %barrier3A = arith.constant 0 : index
    tpu.barrier barrier_id(%barrier3A)
    "tpu.region"() ({
      %run_scoped3A = tpu.sem_alloc : memref<!tpu.dma_semaphore, #tpu.memory_space<semaphore_mem>>
      %dma_start3A = arith.constant 0 : i32
      %dma_start3A_33 = tpu.memref_slice %arg7[%mul3A_2, %dma_start3A] : memref<256x128xi32, #tpu.memory_space<hbm>> -> memref<8x128xi32, #tpu.memory_space<hbm>>
      %dma_start3A_34 = arith.constant 0 : i32
      %dma_start3A_35 = tpu.memref_slice %arg7[%mul3A_2, %dma_start3A_34] : memref<256x128xi32, #tpu.memory_space<hbm>> -> memref<8x128xi32, #tpu.memory_space<hbm>>
      tpu.enqueue_dma source(%dma_start3A_35 : memref<8x128xi32, #tpu.memory_space<hbm>>) target(%arg21 : memref<8x128xi32, #tpu.memory_space<vmem>>) target_semaphore(%run_scoped3A : memref<!tpu.dma_semaphore, #tpu.memory_space<semaphore_mem>>)
      %dma_wait3A_36 = arith.constant 0 : i32
      %dma_wait3A_37 = tpu.memref_slice %arg7[%mul3A_2, %dma_wait3A_36] : memref<256x128xi32, #tpu.memory_space<hbm>> -> memref<8x128xi32, #tpu.memory_space<hbm>>
      %dma_wait3A_38 = arith.constant 0 : i32
      %dma_wait3A_39 = tpu.memref_slice %arg7[%mul3A_2, %dma_wait3A_38] : memref<256x128xi32, #tpu.memory_space<hbm>> -> memref<8x128xi32, #tpu.memory_space<hbm>>
      tpu.wait_dma2 semaphore(%run_scoped3A : memref<!tpu.dma_semaphore, #tpu.memory_space<semaphore_mem>>) src(%dma_wait3A_39 : memref<8x128xi32, #tpu.memory_space<hbm>>) dst(%arg21 : memref<8x128xi32, #tpu.memory_space<vmem>>)
      tpu.yield
    }) : () -> ()
    "tpu.region"() ({
      %run_scoped3A = tpu.sem_alloc : memref<!tpu.dma_semaphore, #tpu.memory_space<semaphore_mem>>
      %dma_start3A = arith.constant 0 : i32
      %dma_start3A_33 = tpu.memref_slice %arg8[%mul3A_2, %dma_start3A] : memref<256x128xi32, #tpu.memory_space<hbm>> -> memref<8x128xi32, #tpu.memory_space<hbm>>
      %dma_start3A_34 = arith.constant 0 : i32
      %dma_start3A_35 = tpu.memref_slice %arg8[%mul3A_2, %dma_start3A_34] : memref<256x128xi32, #tpu.memory_space<hbm>> -> memref<8x128xi32, #tpu.memory_space<hbm>>
      tpu.enqueue_dma source(%dma_start3A_35 : memref<8x128xi32, #tpu.memory_space<hbm>>) target(%arg22 : memref<8x128xi32, #tpu.memory_space<vmem>>) target_semaphore(%run_scoped3A : memref<!tpu.dma_semaphore, #tpu.memory_space<semaphore_mem>>)
      %dma_wait3A_36 = arith.constant 0 : i32
      %dma_wait3A_37 = tpu.memref_slice %arg8[%mul3A_2, %dma_wait3A_36] : memref<256x128xi32, #tpu.memory_space<hbm>> -> memref<8x128xi32, #tpu.memory_space<hbm>>
      %dma_wait3A_38 = arith.constant 0 : i32
      %dma_wait3A_39 = tpu.memref_slice %arg8[%mul3A_2, %dma_wait3A_38] : memref<256x128xi32, #tpu.memory_space<hbm>> -> memref<8x128xi32, #tpu.memory_space<hbm>>
      tpu.wait_dma2 semaphore(%run_scoped3A : memref<!tpu.dma_semaphore, #tpu.memory_space<semaphore_mem>>) src(%dma_wait3A_39 : memref<8x128xi32, #tpu.memory_space<hbm>>) dst(%arg22 : memref<8x128xi32, #tpu.memory_space<vmem>>)
      tpu.yield
    }) : () -> ()
    "tpu.region"() ({
      %run_scoped3A = tpu.sem_alloc : memref<!tpu.dma_semaphore, #tpu.memory_space<semaphore_mem>>
      %dma_start3A = arith.constant 0 : i32
      %dma_start3A_33 = tpu.memref_slice %arg9[%mul3A_2, %dma_start3A] : memref<256x128xi32, #tpu.memory_space<hbm>> -> memref<8x128xi32, #tpu.memory_space<hbm>>
      %dma_start3A_34 = arith.constant 0 : i32
      %dma_start3A_35 = tpu.memref_slice %arg9[%mul3A_2, %dma_start3A_34] : memref<256x128xi32, #tpu.memory_space<hbm>> -> memref<8x128xi32, #tpu.memory_space<hbm>>
      tpu.enqueue_dma source(%dma_start3A_35 : memref<8x128xi32, #tpu.memory_space<hbm>>) target(%arg23 : memref<8x128xi32, #tpu.memory_space<vmem>>) target_semaphore(%run_scoped3A : memref<!tpu.dma_semaphore, #tpu.memory_space<semaphore_mem>>)
      %dma_wait3A_36 = arith.constant 0 : i32
      %dma_wait3A_37 = tpu.memref_slice %arg9[%mul3A_2, %dma_wait3A_36] : memref<256x128xi32, #tpu.memory_space<hbm>> -> memref<8x128xi32, #tpu.memory_space<hbm>>
      %dma_wait3A_38 = arith.constant 0 : i32
      %dma_wait3A_39 = tpu.memref_slice %arg9[%mul3A_2, %dma_wait3A_38] : memref<256x128xi32, #tpu.memory_space<hbm>> -> memref<8x128xi32, #tpu.memory_space<hbm>>
      tpu.wait_dma2 semaphore(%run_scoped3A : memref<!tpu.dma_semaphore, #tpu.memory_space<semaphore_mem>>) src(%dma_wait3A_39 : memref<8x128xi32, #tpu.memory_space<hbm>>) dst(%arg23 : memref<8x128xi32, #tpu.memory_space<vmem>>)
      tpu.yield
    }) : () -> ()
    "tpu.region"() ({
      %run_scoped3A = tpu.sem_alloc : memref<!tpu.dma_semaphore, #tpu.memory_space<semaphore_mem>>
      %dma_start3A = arith.constant 0 : i32
      %dma_start3A_33 = tpu.memref_slice %arg10[%mul3A_2, %dma_start3A] : memref<256x128xi32, #tpu.memory_space<hbm>> -> memref<8x128xi32, #tpu.memory_space<hbm>>
      %dma_start3A_34 = arith.constant 0 : i32
      %dma_start3A_35 = tpu.memref_slice %arg10[%mul3A_2, %dma_start3A_34] : memref<256x128xi32, #tpu.memory_space<hbm>> -> memref<8x128xi32, #tpu.memory_space<hbm>>
      tpu.enqueue_dma source(%dma_start3A_35 : memref<8x128xi32, #tpu.memory_space<hbm>>) target(%arg24 : memref<8x128xi32, #tpu.memory_space<vmem>>) target_semaphore(%run_scoped3A : memref<!tpu.dma_semaphore, #tpu.memory_space<semaphore_mem>>)
      %dma_wait3A_36 = arith.constant 0 : i32
      %dma_wait3A_37 = tpu.memref_slice %arg10[%mul3A_2, %dma_wait3A_36] : memref<256x128xi32, #tpu.memory_space<hbm>> -> memref<8x128xi32, #tpu.memory_space<hbm>>
      %dma_wait3A_38 = arith.constant 0 : i32
      %dma_wait3A_39 = tpu.memref_slice %arg10[%mul3A_2, %dma_wait3A_38] : memref<256x128xi32, #tpu.memory_space<hbm>> -> memref<8x128xi32, #tpu.memory_space<hbm>>
      tpu.wait_dma2 semaphore(%run_scoped3A : memref<!tpu.dma_semaphore, #tpu.memory_space<semaphore_mem>>) src(%dma_wait3A_39 : memref<8x128xi32, #tpu.memory_space<hbm>>) dst(%arg24 : memref<8x128xi32, #tpu.memory_space<vmem>>)
      tpu.yield
    }) : () -> ()
    "tpu.region"() ({
      %run_scoped3A = tpu.sem_alloc : memref<!tpu.dma_semaphore, #tpu.memory_space<semaphore_mem>>
      %dma_start3A = arith.constant 0 : i32
      %dma_start3A_33 = tpu.memref_slice %arg11[%mul3A_2, %dma_start3A] : memref<256x128xi32, #tpu.memory_space<hbm>> -> memref<8x128xi32, #tpu.memory_space<hbm>>
      %dma_start3A_34 = arith.constant 0 : i32
      %dma_start3A_35 = tpu.memref_slice %arg11[%mul3A_2, %dma_start3A_34] : memref<256x128xi32, #tpu.memory_space<hbm>> -> memref<8x128xi32, #tpu.memory_space<hbm>>
      tpu.enqueue_dma source(%dma_start3A_35 : memref<8x128xi32, #tpu.memory_space<hbm>>) target(%arg25 : memref<8x128xi32, #tpu.memory_space<vmem>>) target_semaphore(%run_scoped3A : memref<!tpu.dma_semaphore, #tpu.memory_space<semaphore_mem>>)
      %dma_wait3A_36 = arith.constant 0 : i32
      %dma_wait3A_37 = tpu.memref_slice %arg11[%mul3A_2, %dma_wait3A_36] : memref<256x128xi32, #tpu.memory_space<hbm>> -> memref<8x128xi32, #tpu.memory_space<hbm>>
      %dma_wait3A_38 = arith.constant 0 : i32
      %dma_wait3A_39 = tpu.memref_slice %arg11[%mul3A_2, %dma_wait3A_38] : memref<256x128xi32, #tpu.memory_space<hbm>> -> memref<8x128xi32, #tpu.memory_space<hbm>>
      tpu.wait_dma2 semaphore(%run_scoped3A : memref<!tpu.dma_semaphore, #tpu.memory_space<semaphore_mem>>) src(%dma_wait3A_39 : memref<8x128xi32, #tpu.memory_space<hbm>>) dst(%arg25 : memref<8x128xi32, #tpu.memory_space<vmem>>)
      tpu.yield
    }) : () -> ()
    "tpu.region"() ({
      %run_scoped3A = tpu.sem_alloc : memref<!tpu.dma_semaphore, #tpu.memory_space<semaphore_mem>>
      %dma_start3A = arith.constant 0 : i32
      %dma_start3A_33 = tpu.memref_slice %arg12[%mul3A_2, %dma_start3A] : memref<256x128xi32, #tpu.memory_space<hbm>> -> memref<8x128xi32, #tpu.memory_space<hbm>>
      %dma_start3A_34 = arith.constant 0 : i32
      %dma_start3A_35 = tpu.memref_slice %arg12[%mul3A_2, %dma_start3A_34] : memref<256x128xi32, #tpu.memory_space<hbm>> -> memref<8x128xi32, #tpu.memory_space<hbm>>
      tpu.enqueue_dma source(%dma_start3A_35 : memref<8x128xi32, #tpu.memory_space<hbm>>) target(%arg26 : memref<8x128xi32, #tpu.memory_space<vmem>>) target_semaphore(%run_scoped3A : memref<!tpu.dma_semaphore, #tpu.memory_space<semaphore_mem>>)
      %dma_wait3A_36 = arith.constant 0 : i32
      %dma_wait3A_37 = tpu.memref_slice %arg12[%mul3A_2, %dma_wait3A_36] : memref<256x128xi32, #tpu.memory_space<hbm>> -> memref<8x128xi32, #tpu.memory_space<hbm>>
      %dma_wait3A_38 = arith.constant 0 : i32
      %dma_wait3A_39 = tpu.memref_slice %arg12[%mul3A_2, %dma_wait3A_38] : memref<256x128xi32, #tpu.memory_space<hbm>> -> memref<8x128xi32, #tpu.memory_space<hbm>>
      tpu.wait_dma2 semaphore(%run_scoped3A : memref<!tpu.dma_semaphore, #tpu.memory_space<semaphore_mem>>) src(%dma_wait3A_39 : memref<8x128xi32, #tpu.memory_space<hbm>>) dst(%arg26 : memref<8x128xi32, #tpu.memory_space<vmem>>)
      tpu.yield
    }) : () -> ()
    "tpu.region"() ({
      %run_scoped3A = tpu.sem_alloc : memref<!tpu.dma_semaphore, #tpu.memory_space<semaphore_mem>>
      %dma_start3A = arith.constant 0 : i32
      %dma_start3A_33 = tpu.memref_slice %arg13[%mul3A_2, %dma_start3A] : memref<256x128xi32, #tpu.memory_space<hbm>> -> memref<8x128xi32, #tpu.memory_space<hbm>>
      %dma_start3A_34 = arith.constant 0 : i32
      %dma_start3A_35 = tpu.memref_slice %arg13[%mul3A_2, %dma_start3A_34] : memref<256x128xi32, #tpu.memory_space<hbm>> -> memref<8x128xi32, #tpu.memory_space<hbm>>
      tpu.enqueue_dma source(%dma_start3A_35 : memref<8x128xi32, #tpu.memory_space<hbm>>) target(%arg27 : memref<8x128xi32, #tpu.memory_space<vmem>>) target_semaphore(%run_scoped3A : memref<!tpu.dma_semaphore, #tpu.memory_space<semaphore_mem>>)
      %dma_wait3A_36 = arith.constant 0 : i32
      %dma_wait3A_37 = tpu.memref_slice %arg13[%mul3A_2, %dma_wait3A_36] : memref<256x128xi32, #tpu.memory_space<hbm>> -> memref<8x128xi32, #tpu.memory_space<hbm>>
      %dma_wait3A_38 = arith.constant 0 : i32
      %dma_wait3A_39 = tpu.memref_slice %arg13[%mul3A_2, %dma_wait3A_38] : memref<256x128xi32, #tpu.memory_space<hbm>> -> memref<8x128xi32, #tpu.memory_space<hbm>>
      tpu.wait_dma2 semaphore(%run_scoped3A : memref<!tpu.dma_semaphore, #tpu.memory_space<semaphore_mem>>) src(%dma_wait3A_39 : memref<8x128xi32, #tpu.memory_space<hbm>>) dst(%arg27 : memref<8x128xi32, #tpu.memory_space<vmem>>)
      tpu.yield
    }) : () -> ()
    "tpu.region"() ({
      %run_scoped3A = tpu.sem_alloc : memref<!tpu.dma_semaphore, #tpu.memory_space<semaphore_mem>>
      %dma_start3A = arith.constant 0 : i32
      %dma_start3A_33 = tpu.memref_slice %arg14[%mul3A_2, %dma_start3A] : memref<256x128xi32, #tpu.memory_space<hbm>> -> memref<8x128xi32, #tpu.memory_space<hbm>>
      %dma_start3A_34 = arith.constant 0 : i32
      %dma_start3A_35 = tpu.memref_slice %arg14[%mul3A_2, %dma_start3A_34] : memref<256x128xi32, #tpu.memory_space<hbm>> -> memref<8x128xi32, #tpu.memory_space<hbm>>
      tpu.enqueue_dma source(%dma_start3A_35 : memref<8x128xi32, #tpu.memory_space<hbm>>) target(%arg28 : memref<8x128xi32, #tpu.memory_space<vmem>>) target_semaphore(%run_scoped3A : memref<!tpu.dma_semaphore, #tpu.memory_space<semaphore_mem>>)
      %dma_wait3A_36 = arith.constant 0 : i32
      %dma_wait3A_37 = tpu.memref_slice %arg14[%mul3A_2, %dma_wait3A_36] : memref<256x128xi32, #tpu.memory_space<hbm>> -> memref<8x128xi32, #tpu.memory_space<hbm>>
      %dma_wait3A_38 = arith.constant 0 : i32
      %dma_wait3A_39 = tpu.memref_slice %arg14[%mul3A_2, %dma_wait3A_38] : memref<256x128xi32, #tpu.memory_space<hbm>> -> memref<8x128xi32, #tpu.memory_space<hbm>>
      tpu.wait_dma2 semaphore(%run_scoped3A : memref<!tpu.dma_semaphore, #tpu.memory_space<semaphore_mem>>) src(%dma_wait3A_39 : memref<8x128xi32, #tpu.memory_space<hbm>>) dst(%arg28 : memref<8x128xi32, #tpu.memory_space<vmem>>)
      tpu.yield
    }) : () -> ()
    "tpu.region"() ({
      %run_scoped3A = tpu.sem_alloc : memref<!tpu.dma_semaphore, #tpu.memory_space<semaphore_mem>>
      %dma_start3A = arith.constant 0 : i32
      %dma_start3A_33 = tpu.memref_slice %arg15[%mul3A_2, %dma_start3A] : memref<256x128xi32, #tpu.memory_space<hbm>> -> memref<8x128xi32, #tpu.memory_space<hbm>>
      %dma_start3A_34 = arith.constant 0 : i32
      %dma_start3A_35 = tpu.memref_slice %arg15[%mul3A_2, %dma_start3A_34] : memref<256x128xi32, #tpu.memory_space<hbm>> -> memref<8x128xi32, #tpu.memory_space<hbm>>
      tpu.enqueue_dma source(%dma_start3A_35 : memref<8x128xi32, #tpu.memory_space<hbm>>) target(%arg29 : memref<8x128xi32, #tpu.memory_space<vmem>>) target_semaphore(%run_scoped3A : memref<!tpu.dma_semaphore, #tpu.memory_space<semaphore_mem>>)
      %dma_wait3A_36 = arith.constant 0 : i32
      %dma_wait3A_37 = tpu.memref_slice %arg15[%mul3A_2, %dma_wait3A_36] : memref<256x128xi32, #tpu.memory_space<hbm>> -> memref<8x128xi32, #tpu.memory_space<hbm>>
      %dma_wait3A_38 = arith.constant 0 : i32
      %dma_wait3A_39 = tpu.memref_slice %arg15[%mul3A_2, %dma_wait3A_38] : memref<256x128xi32, #tpu.memory_space<hbm>> -> memref<8x128xi32, #tpu.memory_space<hbm>>
      tpu.wait_dma2 semaphore(%run_scoped3A : memref<!tpu.dma_semaphore, #tpu.memory_space<semaphore_mem>>) src(%dma_wait3A_39 : memref<8x128xi32, #tpu.memory_space<hbm>>) dst(%arg29 : memref<8x128xi32, #tpu.memory_space<vmem>>)
      tpu.yield
    }) : () -> ()
    %scan3A = arith.constant 0 : i32
    %scan3A_5 = arith.constant 0 : i32
    %scan3A_6 = arith.constant 10 : i32
    %scan3A_7 = arith.addi %scan3A_5, %scan3A_6 : i32
    %scan3A_8 = arith.constant 1 : i32
    scf.for %scan3A_33 = %scan3A_5 to %scan3A_7 step %scan3A_8  : i32 {
      %mul3A_34 = arith.constant 640 : i32
      %mul3A_35 = arith.muli %add3A, %mul3A_34 : i32
      %mul3A_36 = arith.constant 64 : i32
      %mul3A_37 = arith.muli %scan3A_33, %mul3A_36 : i32
      %add3A_38 = arith.addi %mul3A_35, %mul3A_37 : i32
      %jit3A = arith.constant 2 : i32
      %div3A = arith.divsi %scan3A_33, %jit3A : i32
      %sign3A = arith.constant 0 : i32
      %sign3A_39 = arith.cmpi sgt, %scan3A_33, %sign3A : i32
      %sign3A_40 = arith.extui %sign3A_39 : i1 to i32
      %sign3A_41 = arith.constant 0 : i32
      %sign3A_42 = arith.cmpi slt, %scan3A_33, %sign3A_41 : i32
      %sign3A_43 = arith.extui %sign3A_42 : i1 to i32
      %sign3A_44 = arith.subi %sign3A_40, %sign3A_43 : i32
      %sign3A_45 = arith.constant 0 : i32
      %sign3A_46 = arith.cmpi sgt, %jit3A, %sign3A_45 : i32
      %sign3A_47 = arith.extui %sign3A_46 : i1 to i32
      %sign3A_48 = arith.constant 0 : i32
      %sign3A_49 = arith.cmpi slt, %jit3A, %sign3A_48 : i32
      %sign3A_50 = arith.extui %sign3A_49 : i1 to i32
      %sign3A_51 = arith.subi %sign3A_47, %sign3A_50 : i32
      %ne3A = arith.cmpi ne, %sign3A_44, %sign3A_51 : i32
      %rem3A = arith.remsi %scan3A_33, %jit3A : i32
      %ne3A_52 = arith.constant 0 : i32
      %ne3A_53 = arith.cmpi ne, %rem3A, %ne3A_52 : i32
      %and3A = arith.andi %ne3A, %ne3A_53 : i1
      %sub3A = arith.constant 1 : i32
      %sub3A_54 = arith.subi %div3A, %sub3A : i32
      %select_n3A = arith.select %and3A, %sub3A_54, %div3A : i32
      %jit3A_55 = arith.constant 2 : i32
      %eq3A_56 = arith.constant 0 : i32
      %eq3A_57 = arith.cmpi eq, %jit3A_55, %eq3A_56 : i32
      %jit3A_58 = arith.constant 1 : i32
      %select_n3A_59 = arith.select %eq3A_57, %jit3A_58, %jit3A_55 : i32
      %rem3A_60 = arith.remsi %scan3A_33, %select_n3A_59 : i32
      %ne3A_61 = arith.constant 0 : i32
      %ne3A_62 = arith.cmpi ne, %rem3A_60, %ne3A_61 : i32
      %lt3A = arith.constant 0 : i32
      %lt3A_63 = arith.cmpi slt, %rem3A_60, %lt3A : i32
      %lt3A_64 = arith.constant 0 : i32
      %lt3A_65 = arith.cmpi slt, %select_n3A_59, %lt3A_64 : i32
      %ne3A_66 = arith.xori %lt3A_63, %lt3A_65 : i1
      %and3A_67 = arith.andi %ne3A_66, %ne3A_62 : i1
      %add3A_68 = arith.addi %rem3A_60, %select_n3A_59 : i32
      %select_n3A_69 = arith.select %and3A_67, %add3A_68, %rem3A_60 : i32
      %mul3A_70 = arith.constant 64 : i32
      %mul3A_71 = arith.muli %select_n3A_69, %mul3A_70 : i32
      %gt3A = arith.constant 0 : i32
      %gt3A_72 = arith.cmpi sgt, %scan3A_33, %gt3A : i32
      %convert_element_type3A_73 = arith.extui %gt3A_72 : i1 to i32
      %cond3A_74 = arith.constant 0 : i32
      %cond3A_75 = arith.cmpi ne, %convert_element_type3A_73, %cond3A_74 : i32
      scf.if %cond3A_75 {
        %sub3A_213 = arith.constant 64 : i32
        %sub3A_214 = arith.subi %add3A_38, %sub3A_213 : i32
        %sub3A_215 = arith.constant 64 : i32
        %sub3A_216 = arith.subi %add3A_38, %sub3A_215 : i32
        %dma_wait3A_217 = arith.constant 0 : i32
        %dma_wait3A_218 = tpu.memref_slice %arg16[%sub3A_216, %dma_wait3A_217] : memref<20480x128xf32, #tpu.memory_space<hbm>> -> memref<64x128xf32, #tpu.memory_space<hbm>>
        %dma_wait3A_219 = arith.constant 0 : i32
        %dma_wait3A_220 = tpu.memref_slice %arg16[%sub3A_216, %dma_wait3A_219] : memref<20480x128xf32, #tpu.memory_space<hbm>> -> memref<64x128xf32, #tpu.memory_space<hbm>>
        tpu.wait_dma2 semaphore(%arg52 : memref<!tpu.dma_semaphore, #tpu.memory_space<semaphore_mem>>) src(%arg34 : memref<64x128xf32, #tpu.memory_space<vmem>>) dst(%dma_wait3A_220 : memref<64x128xf32, #tpu.memory_space<hbm>>)
        %sub3A_221 = arith.constant 64 : i32
        %sub3A_222 = arith.subi %add3A_38, %sub3A_221 : i32
        %dma_wait3A_223 = arith.constant 0 : i32
        %dma_wait3A_224 = tpu.memref_slice %arg17[%sub3A_222, %dma_wait3A_223] : memref<20480x128xf32, #tpu.memory_space<hbm>> -> memref<64x128xf32, #tpu.memory_space<hbm>>
        %dma_wait3A_225 = arith.constant 0 : i32
        %dma_wait3A_226 = tpu.memref_slice %arg17[%sub3A_222, %dma_wait3A_225] : memref<20480x128xf32, #tpu.memory_space<hbm>> -> memref<64x128xf32, #tpu.memory_space<hbm>>
        tpu.wait_dma2 semaphore(%arg52 : memref<!tpu.dma_semaphore, #tpu.memory_space<semaphore_mem>>) src(%arg36 : memref<64x128xf32, #tpu.memory_space<vmem>>) dst(%dma_wait3A_226 : memref<64x128xf32, #tpu.memory_space<hbm>>)
        %sub3A_227 = arith.constant 64 : i32
        %sub3A_228 = arith.subi %add3A_38, %sub3A_227 : i32
        %dma_wait3A_229 = arith.constant 0 : i32
        %dma_wait3A_230 = tpu.memref_slice %arg18[%sub3A_228, %dma_wait3A_229] : memref<20480x128xf32, #tpu.memory_space<hbm>> -> memref<64x128xf32, #tpu.memory_space<hbm>>
        %dma_wait3A_231 = arith.constant 0 : i32
        %dma_wait3A_232 = tpu.memref_slice %arg18[%sub3A_228, %dma_wait3A_231] : memref<20480x128xf32, #tpu.memory_space<hbm>> -> memref<64x128xf32, #tpu.memory_space<hbm>>
        tpu.wait_dma2 semaphore(%arg52 : memref<!tpu.dma_semaphore, #tpu.memory_space<semaphore_mem>>) src(%arg37 : memref<64x128xf32, #tpu.memory_space<vmem>>) dst(%dma_wait3A_232 : memref<64x128xf32, #tpu.memory_space<hbm>>)
        %sub3A_233 = arith.constant 64 : i32
        %sub3A_234 = arith.subi %add3A_38, %sub3A_233 : i32
        %dma_wait3A_235 = arith.constant 0 : i32
        %dma_wait3A_236 = tpu.memref_slice %arg19[%sub3A_234, %dma_wait3A_235] : memref<20480x128xf32, #tpu.memory_space<hbm>> -> memref<64x128xf32, #tpu.memory_space<hbm>>
        %dma_wait3A_237 = arith.constant 0 : i32
        %dma_wait3A_238 = tpu.memref_slice %arg19[%sub3A_234, %dma_wait3A_237] : memref<20480x128xf32, #tpu.memory_space<hbm>> -> memref<64x128xf32, #tpu.memory_space<hbm>>
        tpu.wait_dma2 semaphore(%arg52 : memref<!tpu.dma_semaphore, #tpu.memory_space<semaphore_mem>>) src(%arg38 : memref<64x128xf32, #tpu.memory_space<vmem>>) dst(%dma_wait3A_238 : memref<64x128xf32, #tpu.memory_space<hbm>>)
        %sub3A_239 = arith.constant 64 : i32
        %sub3A_240 = arith.subi %add3A_38, %sub3A_239 : i32
        %dma_wait3A_241 = arith.constant 0 : i32
        %dma_wait3A_242 = tpu.memref_slice %arg20[%sub3A_240, %dma_wait3A_241] : memref<20480x128xf32, #tpu.memory_space<hbm>> -> memref<64x128xf32, #tpu.memory_space<hbm>>
        %dma_wait3A_243 = arith.constant 0 : i32
        %dma_wait3A_244 = tpu.memref_slice %arg20[%sub3A_240, %dma_wait3A_243] : memref<20480x128xf32, #tpu.memory_space<hbm>> -> memref<64x128xf32, #tpu.memory_space<hbm>>
        tpu.wait_dma2 semaphore(%arg52 : memref<!tpu.dma_semaphore, #tpu.memory_space<semaphore_mem>>) src(%arg41 : memref<64x128xf32, #tpu.memory_space<vmem>>) dst(%dma_wait3A_244 : memref<64x128xf32, #tpu.memory_space<hbm>>)
      } else {
      }
      %dma_start3A = tpu.memref_slice %arg21[%select_n3A, %mul3A_71] : memref<8x128xi32, #tpu.memory_space<vmem>> -> memref<1x64xi32, #tpu.memory_space<vmem>>
      %dma_start3A_76 = tpu.memref_squeeze %dma_start3A : memref<1x64xi32, #tpu.memory_space<vmem>> -> memref<64xi32, #tpu.memory_space<vmem>>
      %dma_start3A_77 = arith.constant 0 : i32
      %dma_start3A_78 = arith.constant 0 : i32
      %dma_start3A_79 = tpu.memref_slice %arg30[%dma_start3A_77, %dma_start3A_78] : memref<1024x128xf32, #tpu.memory_space<vmem_shared>> -> memref<1024x128xf32, #tpu.memory_space<vmem_shared>>
      tpu.enqueue_indirect_dma source(%dma_start3A_79 : memref<1024x128xf32, #tpu.memory_space<vmem_shared>>) target(%arg34 : memref<64x128xf32, #tpu.memory_space<vmem>>) offsets(%dma_start3A_76 : memref<64xi32, #tpu.memory_space<vmem>>) semaphore(%arg43 : memref<!tpu.dma_semaphore, #tpu.memory_space<semaphore_mem>>)
      %dma_start3A_80 = tpu.memref_slice %arg22[%select_n3A, %mul3A_71] : memref<8x128xi32, #tpu.memory_space<vmem>> -> memref<1x64xi32, #tpu.memory_space<vmem>>
      %dma_start3A_81 = tpu.memref_squeeze %dma_start3A_80 : memref<1x64xi32, #tpu.memory_space<vmem>> -> memref<64xi32, #tpu.memory_space<vmem>>
      %dma_start3A_82 = arith.constant 0 : i32
      %dma_start3A_83 = arith.constant 0 : i32
      %dma_start3A_84 = tpu.memref_slice %arg31[%dma_start3A_82, %dma_start3A_83] : memref<512x128xf32, #tpu.memory_space<vmem_shared>> -> memref<512x128xf32, #tpu.memory_space<vmem_shared>>
      tpu.enqueue_indirect_dma source(%dma_start3A_84 : memref<512x128xf32, #tpu.memory_space<vmem_shared>>) target(%arg35 : memref<64x128xf32, #tpu.memory_space<vmem>>) offsets(%dma_start3A_81 : memref<64xi32, #tpu.memory_space<vmem>>) semaphore(%arg44 : memref<!tpu.dma_semaphore, #tpu.memory_space<semaphore_mem>>)
      %dma_start3A_85 = tpu.memref_slice %arg23[%select_n3A, %mul3A_71] : memref<8x128xi32, #tpu.memory_space<vmem>> -> memref<1x64xi32, #tpu.memory_space<vmem>>
      %dma_start3A_86 = tpu.memref_squeeze %dma_start3A_85 : memref<1x64xi32, #tpu.memory_space<vmem>> -> memref<64xi32, #tpu.memory_space<vmem>>
      %dma_start3A_87 = arith.constant 0 : i32
      %dma_start3A_88 = arith.constant 0 : i32
      %dma_start3A_89 = tpu.memref_slice %arg6[%dma_start3A_87, %dma_start3A_88] : memref<100000x128xf32, #tpu.memory_space<hbm>> -> memref<100000x128xf32, #tpu.memory_space<hbm>>
      tpu.enqueue_indirect_dma source(%dma_start3A_89 : memref<100000x128xf32, #tpu.memory_space<hbm>>) target(%arg36 : memref<64x128xf32, #tpu.memory_space<vmem>>) offsets(%dma_start3A_86 : memref<64xi32, #tpu.memory_space<vmem>>) semaphore(%arg45 : memref<!tpu.dma_semaphore, #tpu.memory_space<semaphore_mem>>)
      %dma_start3A_90 = tpu.memref_slice %arg24[%select_n3A, %mul3A_71] : memref<8x128xi32, #tpu.memory_space<vmem>> -> memref<1x64xi32, #tpu.memory_space<vmem>>
      %dma_start3A_91 = tpu.memref_squeeze %dma_start3A_90 : memref<1x64xi32, #tpu.memory_space<vmem>> -> memref<64xi32, #tpu.memory_space<vmem>>
      %dma_start3A_92 = arith.constant 0 : i32
      %dma_start3A_93 = arith.constant 0 : i32
      %dma_start3A_94 = tpu.memref_slice %arg31[%dma_start3A_92, %dma_start3A_93] : memref<512x128xf32, #tpu.memory_space<vmem_shared>> -> memref<512x128xf32, #tpu.memory_space<vmem_shared>>
      tpu.enqueue_indirect_dma source(%dma_start3A_94 : memref<512x128xf32, #tpu.memory_space<vmem_shared>>) target(%arg37 : memref<64x128xf32, #tpu.memory_space<vmem>>) offsets(%dma_start3A_91 : memref<64xi32, #tpu.memory_space<vmem>>) semaphore(%arg46 : memref<!tpu.dma_semaphore, #tpu.memory_space<semaphore_mem>>)
      %dma_start3A_95 = tpu.memref_slice %arg25[%select_n3A, %mul3A_71] : memref<8x128xi32, #tpu.memory_space<vmem>> -> memref<1x64xi32, #tpu.memory_space<vmem>>
      %dma_start3A_96 = tpu.memref_squeeze %dma_start3A_95 : memref<1x64xi32, #tpu.memory_space<vmem>> -> memref<64xi32, #tpu.memory_space<vmem>>
      %dma_start3A_97 = arith.constant 0 : i32
      %dma_start3A_98 = arith.constant 0 : i32
      %dma_start3A_99 = tpu.memref_slice %arg32[%dma_start3A_97, %dma_start3A_98] : memref<512x128xf32, #tpu.memory_space<vmem_shared>> -> memref<512x128xf32, #tpu.memory_space<vmem_shared>>
      tpu.enqueue_indirect_dma source(%dma_start3A_99 : memref<512x128xf32, #tpu.memory_space<vmem_shared>>) target(%arg38 : memref<64x128xf32, #tpu.memory_space<vmem>>) offsets(%dma_start3A_96 : memref<64xi32, #tpu.memory_space<vmem>>) semaphore(%arg47 : memref<!tpu.dma_semaphore, #tpu.memory_space<semaphore_mem>>)
      %dma_start3A_100 = tpu.memref_slice %arg26[%select_n3A, %mul3A_71] : memref<8x128xi32, #tpu.memory_space<vmem>> -> memref<1x64xi32, #tpu.memory_space<vmem>>
      %dma_start3A_101 = tpu.memref_squeeze %dma_start3A_100 : memref<1x64xi32, #tpu.memory_space<vmem>> -> memref<64xi32, #tpu.memory_space<vmem>>
      %dma_start3A_102 = arith.constant 0 : i32
      %dma_start3A_103 = arith.constant 0 : i32
      %dma_start3A_104 = tpu.memref_slice %arg30[%dma_start3A_102, %dma_start3A_103] : memref<1024x128xf32, #tpu.memory_space<vmem_shared>> -> memref<1024x128xf32, #tpu.memory_space<vmem_shared>>
      tpu.enqueue_indirect_dma source(%dma_start3A_104 : memref<1024x128xf32, #tpu.memory_space<vmem_shared>>) target(%arg39 : memref<64x128xf32, #tpu.memory_space<vmem>>) offsets(%dma_start3A_101 : memref<64xi32, #tpu.memory_space<vmem>>) semaphore(%arg48 : memref<!tpu.dma_semaphore, #tpu.memory_space<semaphore_mem>>)
      %dma_start3A_105 = tpu.memref_slice %arg27[%select_n3A, %mul3A_71] : memref<8x128xi32, #tpu.memory_space<vmem>> -> memref<1x64xi32, #tpu.memory_space<vmem>>
      %dma_start3A_106 = tpu.memref_squeeze %dma_start3A_105 : memref<1x64xi32, #tpu.memory_space<vmem>> -> memref<64xi32, #tpu.memory_space<vmem>>
      %dma_start3A_107 = arith.constant 0 : i32
      %dma_start3A_108 = arith.constant 0 : i32
      %dma_start3A_109 = tpu.memref_slice %arg31[%dma_start3A_107, %dma_start3A_108] : memref<512x128xf32, #tpu.memory_space<vmem_shared>> -> memref<512x128xf32, #tpu.memory_space<vmem_shared>>
      tpu.enqueue_indirect_dma source(%dma_start3A_109 : memref<512x128xf32, #tpu.memory_space<vmem_shared>>) target(%arg40 : memref<64x128xf32, #tpu.memory_space<vmem>>) offsets(%dma_start3A_106 : memref<64xi32, #tpu.memory_space<vmem>>) semaphore(%arg49 : memref<!tpu.dma_semaphore, #tpu.memory_space<semaphore_mem>>)
      %dma_start3A_110 = tpu.memref_slice %arg28[%select_n3A, %mul3A_71] : memref<8x128xi32, #tpu.memory_space<vmem>> -> memref<1x64xi32, #tpu.memory_space<vmem>>
      %dma_start3A_111 = tpu.memref_squeeze %dma_start3A_110 : memref<1x64xi32, #tpu.memory_space<vmem>> -> memref<64xi32, #tpu.memory_space<vmem>>
      %dma_start3A_112 = arith.constant 0 : i32
      %dma_start3A_113 = arith.constant 0 : i32
      %dma_start3A_114 = tpu.memref_slice %arg33[%dma_start3A_112, %dma_start3A_113] : memref<4x128xf32, #tpu.memory_space<vmem_shared>> -> memref<4x128xf32, #tpu.memory_space<vmem_shared>>
      tpu.enqueue_indirect_dma source(%dma_start3A_114 : memref<4x128xf32, #tpu.memory_space<vmem_shared>>) target(%arg41 : memref<64x128xf32, #tpu.memory_space<vmem>>) offsets(%dma_start3A_111 : memref<64xi32, #tpu.memory_space<vmem>>) semaphore(%arg50 : memref<!tpu.dma_semaphore, #tpu.memory_space<semaphore_mem>>)
      %dma_start3A_115 = tpu.memref_slice %arg29[%select_n3A, %mul3A_71] : memref<8x128xi32, #tpu.memory_space<vmem>> -> memref<1x64xi32, #tpu.memory_space<vmem>>
      %dma_start3A_116 = tpu.memref_squeeze %dma_start3A_115 : memref<1x64xi32, #tpu.memory_space<vmem>> -> memref<64xi32, #tpu.memory_space<vmem>>
      %dma_start3A_117 = arith.constant 0 : i32
      %dma_start3A_118 = arith.constant 0 : i32
      %dma_start3A_119 = tpu.memref_slice %arg31[%dma_start3A_117, %dma_start3A_118] : memref<512x128xf32, #tpu.memory_space<vmem_shared>> -> memref<512x128xf32, #tpu.memory_space<vmem_shared>>
      tpu.enqueue_indirect_dma source(%dma_start3A_119 : memref<512x128xf32, #tpu.memory_space<vmem_shared>>) target(%arg42 : memref<64x128xf32, #tpu.memory_space<vmem>>) offsets(%dma_start3A_116 : memref<64xi32, #tpu.memory_space<vmem>>) semaphore(%arg51 : memref<!tpu.dma_semaphore, #tpu.memory_space<semaphore_mem>>)
      %dma_wait3A_120 = tpu.memref_slice %arg21[%select_n3A, %mul3A_71] : memref<8x128xi32, #tpu.memory_space<vmem>> -> memref<1x64xi32, #tpu.memory_space<vmem>>
      %dma_wait3A_121 = tpu.memref_squeeze %dma_wait3A_120 : memref<1x64xi32, #tpu.memory_space<vmem>> -> memref<64xi32, #tpu.memory_space<vmem>>
      %dma_wait3A_122 = arith.constant 0 : i32
      %dma_wait3A_123 = arith.constant 0 : i32
      %dma_wait3A_124 = tpu.memref_slice %arg30[%dma_wait3A_122, %dma_wait3A_123] : memref<1024x128xf32, #tpu.memory_space<vmem_shared>> -> memref<1024x128xf32, #tpu.memory_space<vmem_shared>>
      tpu.wait_indirect_dma semaphore(%arg43 : memref<!tpu.dma_semaphore, #tpu.memory_space<semaphore_mem>>) src(%dma_wait3A_124 : memref<1024x128xf32, #tpu.memory_space<vmem_shared>>) dst(%arg34 : memref<64x128xf32, #tpu.memory_space<vmem>>)
      %dma_wait3A_125 = tpu.memref_slice %arg22[%select_n3A, %mul3A_71] : memref<8x128xi32, #tpu.memory_space<vmem>> -> memref<1x64xi32, #tpu.memory_space<vmem>>
      %dma_wait3A_126 = tpu.memref_squeeze %dma_wait3A_125 : memref<1x64xi32, #tpu.memory_space<vmem>> -> memref<64xi32, #tpu.memory_space<vmem>>
      %dma_wait3A_127 = arith.constant 0 : i32
      %dma_wait3A_128 = arith.constant 0 : i32
      %dma_wait3A_129 = tpu.memref_slice %arg31[%dma_wait3A_127, %dma_wait3A_128] : memref<512x128xf32, #tpu.memory_space<vmem_shared>> -> memref<512x128xf32, #tpu.memory_space<vmem_shared>>
      tpu.wait_indirect_dma semaphore(%arg44 : memref<!tpu.dma_semaphore, #tpu.memory_space<semaphore_mem>>) src(%dma_wait3A_129 : memref<512x128xf32, #tpu.memory_space<vmem_shared>>) dst(%arg35 : memref<64x128xf32, #tpu.memory_space<vmem>>)
      %scan3A_130 = arith.constant 0 : i32
      %scan3A_131 = arith.constant 0 : i32
      %scan3A_132 = arith.constant 64 : i32
      %scan3A_133 = arith.addi %scan3A_131, %scan3A_132 : i32
      %scan3A_134 = arith.constant 1 : i32
      %scan3A_135 = scf.for %scan3A_213 = %scan3A_131 to %scan3A_133 step %scan3A_134 iter_args(%scan3A_214 = %scan3A_130) -> (i32)  : i32 {
        %get3A = arith.index_cast %scan3A_213 : i32 to index
        %get3A_215 = arith.constant 0 : index
        %get3A_216 = tpu.vector_load %arg35[%get3A, %get3A_215] {strides = array<i32>} : memref<64x128xf32, #tpu.memory_space<vmem>>, vector<1x16xf32>,
        %get3A_217 = vector.shape_cast %get3A_216 : vector<1x16xf32> to vector<16xf32>
        %swap3A = arith.index_cast %scan3A_213 : i32 to index
        %swap3A_218 = arith.constant 0 : index
        %swap3A_219 = tpu.vector_load %arg34[%swap3A, %swap3A_218] {strides = array<i32>} : memref<64x128xf32, #tpu.memory_space<vmem>>, vector<1x16xf32>,
        %swap3A_220 = vector.shape_cast %swap3A_219 : vector<1x16xf32> to vector<16xf32>
        %swap3A_221 = vector.shape_cast %get3A_217 : vector<16xf32> to vector<1x16xf32>
        tpu.vector_store %arg34[%swap3A, %swap3A_218], %swap3A_221 {add = true, strides = array<i32>} : memref<64x128xf32, #tpu.memory_space<vmem>>, vector<1x16xf32>,
        %get3A_222 = arith.index_cast %scan3A_213 : i32 to index
        %get3A_223 = arith.constant 16 : index
        %get3A_224 = tpu.vector_load %arg35[%get3A_222, %get3A_223] {strides = array<i32>} : memref<64x128xf32, #tpu.memory_space<vmem>>, vector<1x16xf32>,
        %get3A_225 = vector.shape_cast %get3A_224 : vector<1x16xf32> to vector<16xf32>
        %swap3A_226 = arith.index_cast %scan3A_213 : i32 to index
        %swap3A_227 = arith.constant 16 : index
        %swap3A_228 = tpu.vector_load %arg34[%swap3A_226, %swap3A_227] {strides = array<i32>} : memref<64x128xf32, #tpu.memory_space<vmem>>, vector<1x16xf32>,
        %swap3A_229 = vector.shape_cast %swap3A_228 : vector<1x16xf32> to vector<16xf32>
        %swap3A_230 = vector.shape_cast %get3A_225 : vector<16xf32> to vector<1x16xf32>
        tpu.vector_store %arg34[%swap3A_226, %swap3A_227], %swap3A_230 {add = true, strides = array<i32>} : memref<64x128xf32, #tpu.memory_space<vmem>>, vector<1x16xf32>,
        %get3A_231 = arith.index_cast %scan3A_213 : i32 to index
        %get3A_232 = arith.constant 32 : index
        %get3A_233 = tpu.vector_load %arg35[%get3A_231, %get3A_232] {strides = array<i32>} : memref<64x128xf32, #tpu.memory_space<vmem>>, vector<1x16xf32>,
        %get3A_234 = vector.shape_cast %get3A_233 : vector<1x16xf32> to vector<16xf32>
        %swap3A_235 = arith.index_cast %scan3A_213 : i32 to index
        %swap3A_236 = arith.constant 32 : index
        %swap3A_237 = tpu.vector_load %arg34[%swap3A_235, %swap3A_236] {strides = array<i32>} : memref<64x128xf32, #tpu.memory_space<vmem>>, vector<1x16xf32>,
        %swap3A_238 = vector.shape_cast %swap3A_237 : vector<1x16xf32> to vector<16xf32>
        %swap3A_239 = vector.shape_cast %get3A_234 : vector<16xf32> to vector<1x16xf32>
        tpu.vector_store %arg34[%swap3A_235, %swap3A_236], %swap3A_239 {add = true, strides = array<i32>} : memref<64x128xf32, #tpu.memory_space<vmem>>, vector<1x16xf32>,
        %get3A_240 = arith.index_cast %scan3A_213 : i32 to index
        %get3A_241 = arith.constant 48 : index
        %get3A_242 = tpu.vector_load %arg35[%get3A_240, %get3A_241] {strides = array<i32>} : memref<64x128xf32, #tpu.memory_space<vmem>>, vector<1x16xf32>,
        %get3A_243 = vector.shape_cast %get3A_242 : vector<1x16xf32> to vector<16xf32>
        %swap3A_244 = arith.index_cast %scan3A_213 : i32 to index
        %swap3A_245 = arith.constant 48 : index
        %swap3A_246 = tpu.vector_load %arg34[%swap3A_244, %swap3A_245] {strides = array<i32>} : memref<64x128xf32, #tpu.memory_space<vmem>>, vector<1x16xf32>,
        %swap3A_247 = vector.shape_cast %swap3A_246 : vector<1x16xf32> to vector<16xf32>
        %swap3A_248 = vector.shape_cast %get3A_243 : vector<16xf32> to vector<1x16xf32>
        tpu.vector_store %arg34[%swap3A_244, %swap3A_245], %swap3A_248 {add = true, strides = array<i32>} : memref<64x128xf32, #tpu.memory_space<vmem>>, vector<1x16xf32>,
        %get3A_249 = arith.index_cast %scan3A_213 : i32 to index
        %get3A_250 = arith.constant 64 : index
        %get3A_251 = tpu.vector_load %arg35[%get3A_249, %get3A_250] {strides = array<i32>} : memref<64x128xf32, #tpu.memory_space<vmem>>, vector<1x16xf32>,
        %get3A_252 = vector.shape_cast %get3A_251 : vector<1x16xf32> to vector<16xf32>
        %swap3A_253 = arith.index_cast %scan3A_213 : i32 to index
        %swap3A_254 = arith.constant 64 : index
        %swap3A_255 = tpu.vector_load %arg34[%swap3A_253, %swap3A_254] {strides = array<i32>} : memref<64x128xf32, #tpu.memory_space<vmem>>, vector<1x16xf32>,
        %swap3A_256 = vector.shape_cast %swap3A_255 : vector<1x16xf32> to vector<16xf32>
        %swap3A_257 = vector.shape_cast %get3A_252 : vector<16xf32> to vector<1x16xf32>
        tpu.vector_store %arg34[%swap3A_253, %swap3A_254], %swap3A_257 {add = true, strides = array<i32>} : memref<64x128xf32, #tpu.memory_space<vmem>>, vector<1x16xf32>,
        %get3A_258 = arith.index_cast %scan3A_213 : i32 to index
        %get3A_259 = arith.constant 80 : index
        %get3A_260 = tpu.vector_load %arg35[%get3A_258, %get3A_259] {strides = array<i32>} : memref<64x128xf32, #tpu.memory_space<vmem>>, vector<1x16xf32>,
        %get3A_261 = vector.shape_cast %get3A_260 : vector<1x16xf32> to vector<16xf32>
        %swap3A_262 = arith.index_cast %scan3A_213 : i32 to index
        %swap3A_263 = arith.constant 80 : index
        %swap3A_264 = tpu.vector_load %arg34[%swap3A_262, %swap3A_263] {strides = array<i32>} : memref<64x128xf32, #tpu.memory_space<vmem>>, vector<1x16xf32>,
        %swap3A_265 = vector.shape_cast %swap3A_264 : vector<1x16xf32> to vector<16xf32>
        %swap3A_266 = vector.shape_cast %get3A_261 : vector<16xf32> to vector<1x16xf32>
        tpu.vector_store %arg34[%swap3A_262, %swap3A_263], %swap3A_266 {add = true, strides = array<i32>} : memref<64x128xf32, #tpu.memory_space<vmem>>, vector<1x16xf32>,
        %get3A_267 = arith.index_cast %scan3A_213 : i32 to index
        %get3A_268 = arith.constant 96 : index
        %get3A_269 = tpu.vector_load %arg35[%get3A_267, %get3A_268] {strides = array<i32>} : memref<64x128xf32, #tpu.memory_space<vmem>>, vector<1x16xf32>,
        %get3A_270 = vector.shape_cast %get3A_269 : vector<1x16xf32> to vector<16xf32>
        %swap3A_271 = arith.index_cast %scan3A_213 : i32 to index
        %swap3A_272 = arith.constant 96 : index
        %swap3A_273 = tpu.vector_load %arg34[%swap3A_271, %swap3A_272] {strides = array<i32>} : memref<64x128xf32, #tpu.memory_space<vmem>>, vector<1x16xf32>,
        %swap3A_274 = vector.shape_cast %swap3A_273 : vector<1x16xf32> to vector<16xf32>
        %swap3A_275 = vector.shape_cast %get3A_270 : vector<16xf32> to vector<1x16xf32>
        tpu.vector_store %arg34[%swap3A_271, %swap3A_272], %swap3A_275 {add = true, strides = array<i32>} : memref<64x128xf32, #tpu.memory_space<vmem>>, vector<1x16xf32>,
        %get3A_276 = arith.index_cast %scan3A_213 : i32 to index
        %get3A_277 = arith.constant 112 : index
        %get3A_278 = tpu.vector_load %arg35[%get3A_276, %get3A_277] {strides = array<i32>} : memref<64x128xf32, #tpu.memory_space<vmem>>, vector<1x16xf32>,
        %get3A_279 = vector.shape_cast %get3A_278 : vector<1x16xf32> to vector<16xf32>
        %swap3A_280 = arith.index_cast %scan3A_213 : i32 to index
        %swap3A_281 = arith.constant 112 : index
        %swap3A_282 = tpu.vector_load %arg34[%swap3A_280, %swap3A_281] {strides = array<i32>} : memref<64x128xf32, #tpu.memory_space<vmem>>, vector<1x16xf32>,
        %swap3A_283 = vector.shape_cast %swap3A_282 : vector<1x16xf32> to vector<16xf32>
        %swap3A_284 = vector.shape_cast %get3A_279 : vector<16xf32> to vector<1x16xf32>
        tpu.vector_store %arg34[%swap3A_280, %swap3A_281], %swap3A_284 {add = true, strides = array<i32>} : memref<64x128xf32, #tpu.memory_space<vmem>>, vector<1x16xf32>,
        %scan3A_285 = arith.constant 0 : i32
        scf.yield %scan3A_285 : i32
      }
      %scan3A_136 = arith.constant 64 : i32
      %dma_start3A_137 = arith.constant 0 : i32
      %dma_start3A_138 = tpu.memref_slice %arg16[%add3A_38, %dma_start3A_137] : memref<20480x128xf32, #tpu.memory_space<hbm>> -> memref<64x128xf32, #tpu.memory_space<hbm>>
      %dma_start3A_139 = arith.constant 0 : i32
      %dma_start3A_140 = tpu.memref_slice %arg16[%add3A_38, %dma_start3A_139] : memref<20480x128xf32, #tpu.memory_space<hbm>> -> memref<64x128xf32, #tpu.memory_space<hbm>>
      tpu.enqueue_dma source(%arg34 : memref<64x128xf32, #tpu.memory_space<vmem>>) target(%dma_start3A_140 : memref<64x128xf32, #tpu.memory_space<hbm>>) target_semaphore(%arg52 : memref<!tpu.dma_semaphore, #tpu.memory_space<semaphore_mem>>)
      %dma_wait3A_141 = tpu.memref_slice %arg23[%select_n3A, %mul3A_71] : memref<8x128xi32, #tpu.memory_space<vmem>> -> memref<1x64xi32, #tpu.memory_space<vmem>>
      %dma_wait3A_142 = tpu.memref_squeeze %dma_wait3A_141 : memref<1x64xi32, #tpu.memory_space<vmem>> -> memref<64xi32, #tpu.memory_space<vmem>>
      %dma_wait3A_143 = arith.constant 0 : i32
      %dma_wait3A_144 = arith.constant 0 : i32
      %dma_wait3A_145 = tpu.memref_slice %arg6[%dma_wait3A_143, %dma_wait3A_144] : memref<100000x128xf32, #tpu.memory_space<hbm>> -> memref<100000x128xf32, #tpu.memory_space<hbm>>
      tpu.wait_indirect_dma semaphore(%arg45 : memref<!tpu.dma_semaphore, #tpu.memory_space<semaphore_mem>>) src(%dma_wait3A_145 : memref<100000x128xf32, #tpu.memory_space<hbm>>) dst(%arg36 : memref<64x128xf32, #tpu.memory_space<vmem>>)
      %dma_start3A_146 = arith.constant 0 : i32
      %dma_start3A_147 = tpu.memref_slice %arg17[%add3A_38, %dma_start3A_146] : memref<20480x128xf32, #tpu.memory_space<hbm>> -> memref<64x128xf32, #tpu.memory_space<hbm>>
      %dma_start3A_148 = arith.constant 0 : i32
      %dma_start3A_149 = tpu.memref_slice %arg17[%add3A_38, %dma_start3A_148] : memref<20480x128xf32, #tpu.memory_space<hbm>> -> memref<64x128xf32, #tpu.memory_space<hbm>>
      tpu.enqueue_dma source(%arg36 : memref<64x128xf32, #tpu.memory_space<vmem>>) target(%dma_start3A_149 : memref<64x128xf32, #tpu.memory_space<hbm>>) target_semaphore(%arg52 : memref<!tpu.dma_semaphore, #tpu.memory_space<semaphore_mem>>)
      %dma_wait3A_150 = tpu.memref_slice %arg24[%select_n3A, %mul3A_71] : memref<8x128xi32, #tpu.memory_space<vmem>> -> memref<1x64xi32, #tpu.memory_space<vmem>>
      %dma_wait3A_151 = tpu.memref_squeeze %dma_wait3A_150 : memref<1x64xi32, #tpu.memory_space<vmem>> -> memref<64xi32, #tpu.memory_space<vmem>>
      %dma_wait3A_152 = arith.constant 0 : i32
      %dma_wait3A_153 = arith.constant 0 : i32
      %dma_wait3A_154 = tpu.memref_slice %arg31[%dma_wait3A_152, %dma_wait3A_153] : memref<512x128xf32, #tpu.memory_space<vmem_shared>> -> memref<512x128xf32, #tpu.memory_space<vmem_shared>>
      tpu.wait_indirect_dma semaphore(%arg46 : memref<!tpu.dma_semaphore, #tpu.memory_space<semaphore_mem>>) src(%dma_wait3A_154 : memref<512x128xf32, #tpu.memory_space<vmem_shared>>) dst(%arg37 : memref<64x128xf32, #tpu.memory_space<vmem>>)
      %dma_start3A_155 = arith.constant 0 : i32
      %dma_start3A_156 = tpu.memref_slice %arg18[%add3A_38, %dma_start3A_155] : memref<20480x128xf32, #tpu.memory_space<hbm>> -> memref<64x128xf32, #tpu.memory_space<hbm>>
      %dma_start3A_157 = arith.constant 0 : i32
      %dma_start3A_158 = tpu.memref_slice %arg18[%add3A_38, %dma_start3A_157] : memref<20480x128xf32, #tpu.memory_space<hbm>> -> memref<64x128xf32, #tpu.memory_space<hbm>>
      tpu.enqueue_dma source(%arg37 : memref<64x128xf32, #tpu.memory_space<vmem>>) target(%dma_start3A_158 : memref<64x128xf32, #tpu.memory_space<hbm>>) target_semaphore(%arg52 : memref<!tpu.dma_semaphore, #tpu.memory_space<semaphore_mem>>)
      %dma_wait3A_159 = tpu.memref_slice %arg25[%select_n3A, %mul3A_71] : memref<8x128xi32, #tpu.memory_space<vmem>> -> memref<1x64xi32, #tpu.memory_space<vmem>>
      %dma_wait3A_160 = tpu.memref_squeeze %dma_wait3A_159 : memref<1x64xi32, #tpu.memory_space<vmem>> -> memref<64xi32, #tpu.memory_space<vmem>>
      %dma_wait3A_161 = arith.constant 0 : i32
      %dma_wait3A_162 = arith.constant 0 : i32
      %dma_wait3A_163 = tpu.memref_slice %arg32[%dma_wait3A_161, %dma_wait3A_162] : memref<512x128xf32, #tpu.memory_space<vmem_shared>> -> memref<512x128xf32, #tpu.memory_space<vmem_shared>>
      tpu.wait_indirect_dma semaphore(%arg47 : memref<!tpu.dma_semaphore, #tpu.memory_space<semaphore_mem>>) src(%dma_wait3A_163 : memref<512x128xf32, #tpu.memory_space<vmem_shared>>) dst(%arg38 : memref<64x128xf32, #tpu.memory_space<vmem>>)
      %dma_wait3A_164 = tpu.memref_slice %arg26[%select_n3A, %mul3A_71] : memref<8x128xi32, #tpu.memory_space<vmem>> -> memref<1x64xi32, #tpu.memory_space<vmem>>
      %dma_wait3A_165 = tpu.memref_squeeze %dma_wait3A_164 : memref<1x64xi32, #tpu.memory_space<vmem>> -> memref<64xi32, #tpu.memory_space<vmem>>
      %dma_wait3A_166 = arith.constant 0 : i32
      %dma_wait3A_167 = arith.constant 0 : i32
      %dma_wait3A_168 = tpu.memref_slice %arg30[%dma_wait3A_166, %dma_wait3A_167] : memref<1024x128xf32, #tpu.memory_space<vmem_shared>> -> memref<1024x128xf32, #tpu.memory_space<vmem_shared>>
      tpu.wait_indirect_dma semaphore(%arg48 : memref<!tpu.dma_semaphore, #tpu.memory_space<semaphore_mem>>) src(%dma_wait3A_168 : memref<1024x128xf32, #tpu.memory_space<vmem_shared>>) dst(%arg39 : memref<64x128xf32, #tpu.memory_space<vmem>>)
      %scan3A_169 = arith.constant 0 : i32
      %scan3A_170 = arith.constant 0 : i32
      %scan3A_171 = arith.constant 64 : i32
      %scan3A_172 = arith.addi %scan3A_170, %scan3A_171 : i32
      %scan3A_173 = arith.constant 1 : i32
      %scan3A_174 = scf.for %scan3A_213 = %scan3A_170 to %scan3A_172 step %scan3A_173 iter_args(%scan3A_214 = %scan3A_169) -> (i32)  : i32 {
        %get3A = arith.index_cast %scan3A_213 : i32 to index
        %get3A_215 = arith.constant 0 : index
        %get3A_216 = tpu.vector_load %arg39[%get3A, %get3A_215] {strides = array<i32>} : memref<64x128xf32, #tpu.memory_space<vmem>>, vector<1x16xf32>,
        %get3A_217 = vector.shape_cast %get3A_216 : vector<1x16xf32> to vector<16xf32>
        %swap3A = arith.index_cast %scan3A_213 : i32 to index
        %swap3A_218 = arith.constant 0 : index
        %swap3A_219 = tpu.vector_load %arg38[%swap3A, %swap3A_218] {strides = array<i32>} : memref<64x128xf32, #tpu.memory_space<vmem>>, vector<1x16xf32>,
        %swap3A_220 = vector.shape_cast %swap3A_219 : vector<1x16xf32> to vector<16xf32>
        %swap3A_221 = vector.shape_cast %get3A_217 : vector<16xf32> to vector<1x16xf32>
        tpu.vector_store %arg38[%swap3A, %swap3A_218], %swap3A_221 {add = true, strides = array<i32>} : memref<64x128xf32, #tpu.memory_space<vmem>>, vector<1x16xf32>,
        %get3A_222 = arith.index_cast %scan3A_213 : i32 to index
        %get3A_223 = arith.constant 16 : index
        %get3A_224 = tpu.vector_load %arg39[%get3A_222, %get3A_223] {strides = array<i32>} : memref<64x128xf32, #tpu.memory_space<vmem>>, vector<1x16xf32>,
        %get3A_225 = vector.shape_cast %get3A_224 : vector<1x16xf32> to vector<16xf32>
        %swap3A_226 = arith.index_cast %scan3A_213 : i32 to index
        %swap3A_227 = arith.constant 16 : index
        %swap3A_228 = tpu.vector_load %arg38[%swap3A_226, %swap3A_227] {strides = array<i32>} : memref<64x128xf32, #tpu.memory_space<vmem>>, vector<1x16xf32>,
        %swap3A_229 = vector.shape_cast %swap3A_228 : vector<1x16xf32> to vector<16xf32>
        %swap3A_230 = vector.shape_cast %get3A_225 : vector<16xf32> to vector<1x16xf32>
        tpu.vector_store %arg38[%swap3A_226, %swap3A_227], %swap3A_230 {add = true, strides = array<i32>} : memref<64x128xf32, #tpu.memory_space<vmem>>, vector<1x16xf32>,
        %get3A_231 = arith.index_cast %scan3A_213 : i32 to index
        %get3A_232 = arith.constant 32 : index
        %get3A_233 = tpu.vector_load %arg39[%get3A_231, %get3A_232] {strides = array<i32>} : memref<64x128xf32, #tpu.memory_space<vmem>>, vector<1x16xf32>,
        %get3A_234 = vector.shape_cast %get3A_233 : vector<1x16xf32> to vector<16xf32>
        %swap3A_235 = arith.index_cast %scan3A_213 : i32 to index
        %swap3A_236 = arith.constant 32 : index
        %swap3A_237 = tpu.vector_load %arg38[%swap3A_235, %swap3A_236] {strides = array<i32>} : memref<64x128xf32, #tpu.memory_space<vmem>>, vector<1x16xf32>,
        %swap3A_238 = vector.shape_cast %swap3A_237 : vector<1x16xf32> to vector<16xf32>
        %swap3A_239 = vector.shape_cast %get3A_234 : vector<16xf32> to vector<1x16xf32>
        tpu.vector_store %arg38[%swap3A_235, %swap3A_236], %swap3A_239 {add = true, strides = array<i32>} : memref<64x128xf32, #tpu.memory_space<vmem>>, vector<1x16xf32>,
        %get3A_240 = arith.index_cast %scan3A_213 : i32 to index
        %get3A_241 = arith.constant 48 : index
        %get3A_242 = tpu.vector_load %arg39[%get3A_240, %get3A_241] {strides = array<i32>} : memref<64x128xf32, #tpu.memory_space<vmem>>, vector<1x16xf32>,
        %get3A_243 = vector.shape_cast %get3A_242 : vector<1x16xf32> to vector<16xf32>
        %swap3A_244 = arith.index_cast %scan3A_213 : i32 to index
        %swap3A_245 = arith.constant 48 : index
        %swap3A_246 = tpu.vector_load %arg38[%swap3A_244, %swap3A_245] {strides = array<i32>} : memref<64x128xf32, #tpu.memory_space<vmem>>, vector<1x16xf32>,
        %swap3A_247 = vector.shape_cast %swap3A_246 : vector<1x16xf32> to vector<16xf32>
        %swap3A_248 = vector.shape_cast %get3A_243 : vector<16xf32> to vector<1x16xf32>
        tpu.vector_store %arg38[%swap3A_244, %swap3A_245], %swap3A_248 {add = true, strides = array<i32>} : memref<64x128xf32, #tpu.memory_space<vmem>>, vector<1x16xf32>,
        %get3A_249 = arith.index_cast %scan3A_213 : i32 to index
        %get3A_250 = arith.constant 64 : index
        %get3A_251 = tpu.vector_load %arg39[%get3A_249, %get3A_250] {strides = array<i32>} : memref<64x128xf32, #tpu.memory_space<vmem>>, vector<1x16xf32>,
        %get3A_252 = vector.shape_cast %get3A_251 : vector<1x16xf32> to vector<16xf32>
        %swap3A_253 = arith.index_cast %scan3A_213 : i32 to index
        %swap3A_254 = arith.constant 64 : index
        %swap3A_255 = tpu.vector_load %arg38[%swap3A_253, %swap3A_254] {strides = array<i32>} : memref<64x128xf32, #tpu.memory_space<vmem>>, vector<1x16xf32>,
        %swap3A_256 = vector.shape_cast %swap3A_255 : vector<1x16xf32> to vector<16xf32>
        %swap3A_257 = vector.shape_cast %get3A_252 : vector<16xf32> to vector<1x16xf32>
        tpu.vector_store %arg38[%swap3A_253, %swap3A_254], %swap3A_257 {add = true, strides = array<i32>} : memref<64x128xf32, #tpu.memory_space<vmem>>, vector<1x16xf32>,
        %get3A_258 = arith.index_cast %scan3A_213 : i32 to index
        %get3A_259 = arith.constant 80 : index
        %get3A_260 = tpu.vector_load %arg39[%get3A_258, %get3A_259] {strides = array<i32>} : memref<64x128xf32, #tpu.memory_space<vmem>>, vector<1x16xf32>,
        %get3A_261 = vector.shape_cast %get3A_260 : vector<1x16xf32> to vector<16xf32>
        %swap3A_262 = arith.index_cast %scan3A_213 : i32 to index
        %swap3A_263 = arith.constant 80 : index
        %swap3A_264 = tpu.vector_load %arg38[%swap3A_262, %swap3A_263] {strides = array<i32>} : memref<64x128xf32, #tpu.memory_space<vmem>>, vector<1x16xf32>,
        %swap3A_265 = vector.shape_cast %swap3A_264 : vector<1x16xf32> to vector<16xf32>
        %swap3A_266 = vector.shape_cast %get3A_261 : vector<16xf32> to vector<1x16xf32>
        tpu.vector_store %arg38[%swap3A_262, %swap3A_263], %swap3A_266 {add = true, strides = array<i32>} : memref<64x128xf32, #tpu.memory_space<vmem>>, vector<1x16xf32>,
        %get3A_267 = arith.index_cast %scan3A_213 : i32 to index
        %get3A_268 = arith.constant 96 : index
        %get3A_269 = tpu.vector_load %arg39[%get3A_267, %get3A_268] {strides = array<i32>} : memref<64x128xf32, #tpu.memory_space<vmem>>, vector<1x16xf32>,
        %get3A_270 = vector.shape_cast %get3A_269 : vector<1x16xf32> to vector<16xf32>
        %swap3A_271 = arith.index_cast %scan3A_213 : i32 to index
        %swap3A_272 = arith.constant 96 : index
        %swap3A_273 = tpu.vector_load %arg38[%swap3A_271, %swap3A_272] {strides = array<i32>} : memref<64x128xf32, #tpu.memory_space<vmem>>, vector<1x16xf32>,
        %swap3A_274 = vector.shape_cast %swap3A_273 : vector<1x16xf32> to vector<16xf32>
        %swap3A_275 = vector.shape_cast %get3A_270 : vector<16xf32> to vector<1x16xf32>
        tpu.vector_store %arg38[%swap3A_271, %swap3A_272], %swap3A_275 {add = true, strides = array<i32>} : memref<64x128xf32, #tpu.memory_space<vmem>>, vector<1x16xf32>,
        %get3A_276 = arith.index_cast %scan3A_213 : i32 to index
        %get3A_277 = arith.constant 112 : index
        %get3A_278 = tpu.vector_load %arg39[%get3A_276, %get3A_277] {strides = array<i32>} : memref<64x128xf32, #tpu.memory_space<vmem>>, vector<1x16xf32>,
        %get3A_279 = vector.shape_cast %get3A_278 : vector<1x16xf32> to vector<16xf32>
        %swap3A_280 = arith.index_cast %scan3A_213 : i32 to index
        %swap3A_281 = arith.constant 112 : index
        %swap3A_282 = tpu.vector_load %arg38[%swap3A_280, %swap3A_281] {strides = array<i32>} : memref<64x128xf32, #tpu.memory_space<vmem>>, vector<1x16xf32>,
        %swap3A_283 = vector.shape_cast %swap3A_282 : vector<1x16xf32> to vector<16xf32>
        %swap3A_284 = vector.shape_cast %get3A_279 : vector<16xf32> to vector<1x16xf32>
        tpu.vector_store %arg38[%swap3A_280, %swap3A_281], %swap3A_284 {add = true, strides = array<i32>} : memref<64x128xf32, #tpu.memory_space<vmem>>, vector<1x16xf32>,
        %scan3A_285 = arith.constant 0 : i32
        scf.yield %scan3A_285 : i32
      }
      %scan3A_175 = arith.constant 64 : i32
      %dma_wait3A_176 = tpu.memref_slice %arg27[%select_n3A, %mul3A_71] : memref<8x128xi32, #tpu.memory_space<vmem>> -> memref<1x64xi32, #tpu.memory_space<vmem>>
      %dma_wait3A_177 = tpu.memref_squeeze %dma_wait3A_176 : memref<1x64xi32, #tpu.memory_space<vmem>> -> memref<64xi32, #tpu.memory_space<vmem>>
      %dma_wait3A_178 = arith.constant 0 : i32
      %dma_wait3A_179 = arith.constant 0 : i32
      %dma_wait3A_180 = tpu.memref_slice %arg31[%dma_wait3A_178, %dma_wait3A_179] : memref<512x128xf32, #tpu.memory_space<vmem_shared>> -> memref<512x128xf32, #tpu.memory_space<vmem_shared>>
      tpu.wait_indirect_dma semaphore(%arg49 : memref<!tpu.dma_semaphore, #tpu.memory_space<semaphore_mem>>) src(%dma_wait3A_180 : memref<512x128xf32, #tpu.memory_space<vmem_shared>>) dst(%arg40 : memref<64x128xf32, #tpu.memory_space<vmem>>)
      %scan3A_181 = arith.constant 0 : i32
      %scan3A_182 = arith.constant 0 : i32
      %scan3A_183 = arith.constant 64 : i32
      %scan3A_184 = arith.addi %scan3A_182, %scan3A_183 : i32
      %scan3A_185 = arith.constant 1 : i32
      %scan3A_186 = scf.for %scan3A_213 = %scan3A_182 to %scan3A_184 step %scan3A_185 iter_args(%scan3A_214 = %scan3A_181) -> (i32)  : i32 {
        %get3A = arith.index_cast %scan3A_213 : i32 to index
        %get3A_215 = arith.constant 0 : index
        %get3A_216 = tpu.vector_load %arg40[%get3A, %get3A_215] {strides = array<i32>} : memref<64x128xf32, #tpu.memory_space<vmem>>, vector<1x16xf32>,
        %get3A_217 = vector.shape_cast %get3A_216 : vector<1x16xf32> to vector<16xf32>
        %swap3A = arith.index_cast %scan3A_213 : i32 to index
        %swap3A_218 = arith.constant 0 : index
        %swap3A_219 = tpu.vector_load %arg38[%swap3A, %swap3A_218] {strides = array<i32>} : memref<64x128xf32, #tpu.memory_space<vmem>>, vector<1x16xf32>,
        %swap3A_220 = vector.shape_cast %swap3A_219 : vector<1x16xf32> to vector<16xf32>
        %swap3A_221 = vector.shape_cast %get3A_217 : vector<16xf32> to vector<1x16xf32>
        tpu.vector_store %arg38[%swap3A, %swap3A_218], %swap3A_221 {add = true, strides = array<i32>} : memref<64x128xf32, #tpu.memory_space<vmem>>, vector<1x16xf32>,
        %get3A_222 = arith.index_cast %scan3A_213 : i32 to index
        %get3A_223 = arith.constant 16 : index
        %get3A_224 = tpu.vector_load %arg40[%get3A_222, %get3A_223] {strides = array<i32>} : memref<64x128xf32, #tpu.memory_space<vmem>>, vector<1x16xf32>,
        %get3A_225 = vector.shape_cast %get3A_224 : vector<1x16xf32> to vector<16xf32>
        %swap3A_226 = arith.index_cast %scan3A_213 : i32 to index
        %swap3A_227 = arith.constant 16 : index
        %swap3A_228 = tpu.vector_load %arg38[%swap3A_226, %swap3A_227] {strides = array<i32>} : memref<64x128xf32, #tpu.memory_space<vmem>>, vector<1x16xf32>,
        %swap3A_229 = vector.shape_cast %swap3A_228 : vector<1x16xf32> to vector<16xf32>
        %swap3A_230 = vector.shape_cast %get3A_225 : vector<16xf32> to vector<1x16xf32>
        tpu.vector_store %arg38[%swap3A_226, %swap3A_227], %swap3A_230 {add = true, strides = array<i32>} : memref<64x128xf32, #tpu.memory_space<vmem>>, vector<1x16xf32>,
        %get3A_231 = arith.index_cast %scan3A_213 : i32 to index
        %get3A_232 = arith.constant 32 : index
        %get3A_233 = tpu.vector_load %arg40[%get3A_231, %get3A_232] {strides = array<i32>} : memref<64x128xf32, #tpu.memory_space<vmem>>, vector<1x16xf32>,
        %get3A_234 = vector.shape_cast %get3A_233 : vector<1x16xf32> to vector<16xf32>
        %swap3A_235 = arith.index_cast %scan3A_213 : i32 to index
        %swap3A_236 = arith.constant 32 : index
        %swap3A_237 = tpu.vector_load %arg38[%swap3A_235, %swap3A_236] {strides = array<i32>} : memref<64x128xf32, #tpu.memory_space<vmem>>, vector<1x16xf32>,
        %swap3A_238 = vector.shape_cast %swap3A_237 : vector<1x16xf32> to vector<16xf32>
        %swap3A_239 = vector.shape_cast %get3A_234 : vector<16xf32> to vector<1x16xf32>
        tpu.vector_store %arg38[%swap3A_235, %swap3A_236], %swap3A_239 {add = true, strides = array<i32>} : memref<64x128xf32, #tpu.memory_space<vmem>>, vector<1x16xf32>,
        %get3A_240 = arith.index_cast %scan3A_213 : i32 to index
        %get3A_241 = arith.constant 48 : index
        %get3A_242 = tpu.vector_load %arg40[%get3A_240, %get3A_241] {strides = array<i32>} : memref<64x128xf32, #tpu.memory_space<vmem>>, vector<1x16xf32>,
        %get3A_243 = vector.shape_cast %get3A_242 : vector<1x16xf32> to vector<16xf32>
        %swap3A_244 = arith.index_cast %scan3A_213 : i32 to index
        %swap3A_245 = arith.constant 48 : index
        %swap3A_246 = tpu.vector_load %arg38[%swap3A_244, %swap3A_245] {strides = array<i32>} : memref<64x128xf32, #tpu.memory_space<vmem>>, vector<1x16xf32>,
        %swap3A_247 = vector.shape_cast %swap3A_246 : vector<1x16xf32> to vector<16xf32>
        %swap3A_248 = vector.shape_cast %get3A_243 : vector<16xf32> to vector<1x16xf32>
        tpu.vector_store %arg38[%swap3A_244, %swap3A_245], %swap3A_248 {add = true, strides = array<i32>} : memref<64x128xf32, #tpu.memory_space<vmem>>, vector<1x16xf32>,
        %get3A_249 = arith.index_cast %scan3A_213 : i32 to index
        %get3A_250 = arith.constant 64 : index
        %get3A_251 = tpu.vector_load %arg40[%get3A_249, %get3A_250] {strides = array<i32>} : memref<64x128xf32, #tpu.memory_space<vmem>>, vector<1x16xf32>,
        %get3A_252 = vector.shape_cast %get3A_251 : vector<1x16xf32> to vector<16xf32>
        %swap3A_253 = arith.index_cast %scan3A_213 : i32 to index
        %swap3A_254 = arith.constant 64 : index
        %swap3A_255 = tpu.vector_load %arg38[%swap3A_253, %swap3A_254] {strides = array<i32>} : memref<64x128xf32, #tpu.memory_space<vmem>>, vector<1x16xf32>,
        %swap3A_256 = vector.shape_cast %swap3A_255 : vector<1x16xf32> to vector<16xf32>
        %swap3A_257 = vector.shape_cast %get3A_252 : vector<16xf32> to vector<1x16xf32>
        tpu.vector_store %arg38[%swap3A_253, %swap3A_254], %swap3A_257 {add = true, strides = array<i32>} : memref<64x128xf32, #tpu.memory_space<vmem>>, vector<1x16xf32>,
        %get3A_258 = arith.index_cast %scan3A_213 : i32 to index
        %get3A_259 = arith.constant 80 : index
        %get3A_260 = tpu.vector_load %arg40[%get3A_258, %get3A_259] {strides = array<i32>} : memref<64x128xf32, #tpu.memory_space<vmem>>, vector<1x16xf32>,
        %get3A_261 = vector.shape_cast %get3A_260 : vector<1x16xf32> to vector<16xf32>
        %swap3A_262 = arith.index_cast %scan3A_213 : i32 to index
        %swap3A_263 = arith.constant 80 : index
        %swap3A_264 = tpu.vector_load %arg38[%swap3A_262, %swap3A_263] {strides = array<i32>} : memref<64x128xf32, #tpu.memory_space<vmem>>, vector<1x16xf32>,
        %swap3A_265 = vector.shape_cast %swap3A_264 : vector<1x16xf32> to vector<16xf32>
        %swap3A_266 = vector.shape_cast %get3A_261 : vector<16xf32> to vector<1x16xf32>
        tpu.vector_store %arg38[%swap3A_262, %swap3A_263], %swap3A_266 {add = true, strides = array<i32>} : memref<64x128xf32, #tpu.memory_space<vmem>>, vector<1x16xf32>,
        %get3A_267 = arith.index_cast %scan3A_213 : i32 to index
        %get3A_268 = arith.constant 96 : index
        %get3A_269 = tpu.vector_load %arg40[%get3A_267, %get3A_268] {strides = array<i32>} : memref<64x128xf32, #tpu.memory_space<vmem>>, vector<1x16xf32>,
        %get3A_270 = vector.shape_cast %get3A_269 : vector<1x16xf32> to vector<16xf32>
        %swap3A_271 = arith.index_cast %scan3A_213 : i32 to index
        %swap3A_272 = arith.constant 96 : index
        %swap3A_273 = tpu.vector_load %arg38[%swap3A_271, %swap3A_272] {strides = array<i32>} : memref<64x128xf32, #tpu.memory_space<vmem>>, vector<1x16xf32>,
        %swap3A_274 = vector.shape_cast %swap3A_273 : vector<1x16xf32> to vector<16xf32>
        %swap3A_275 = vector.shape_cast %get3A_270 : vector<16xf32> to vector<1x16xf32>
        tpu.vector_store %arg38[%swap3A_271, %swap3A_272], %swap3A_275 {add = true, strides = array<i32>} : memref<64x128xf32, #tpu.memory_space<vmem>>, vector<1x16xf32>,
        %get3A_276 = arith.index_cast %scan3A_213 : i32 to index
        %get3A_277 = arith.constant 112 : index
        %get3A_278 = tpu.vector_load %arg40[%get3A_276, %get3A_277] {strides = array<i32>} : memref<64x128xf32, #tpu.memory_space<vmem>>, vector<1x16xf32>,
        %get3A_279 = vector.shape_cast %get3A_278 : vector<1x16xf32> to vector<16xf32>
        %swap3A_280 = arith.index_cast %scan3A_213 : i32 to index
        %swap3A_281 = arith.constant 112 : index
        %swap3A_282 = tpu.vector_load %arg38[%swap3A_280, %swap3A_281] {strides = array<i32>} : memref<64x128xf32, #tpu.memory_space<vmem>>, vector<1x16xf32>,
        %swap3A_283 = vector.shape_cast %swap3A_282 : vector<1x16xf32> to vector<16xf32>
        %swap3A_284 = vector.shape_cast %get3A_279 : vector<16xf32> to vector<1x16xf32>
        tpu.vector_store %arg38[%swap3A_280, %swap3A_281], %swap3A_284 {add = true, strides = array<i32>} : memref<64x128xf32, #tpu.memory_space<vmem>>, vector<1x16xf32>,
        %scan3A_285 = arith.constant 0 : i32
        scf.yield %scan3A_285 : i32
      }
      %scan3A_187 = arith.constant 64 : i32
      %dma_start3A_188 = arith.constant 0 : i32
      %dma_start3A_189 = tpu.memref_slice %arg19[%add3A_38, %dma_start3A_188] : memref<20480x128xf32, #tpu.memory_space<hbm>> -> memref<64x128xf32, #tpu.memory_space<hbm>>
      %dma_start3A_190 = arith.constant 0 : i32
      %dma_start3A_191 = tpu.memref_slice %arg19[%add3A_38, %dma_start3A_190] : memref<20480x128xf32, #tpu.memory_space<hbm>> -> memref<64x128xf32, #tpu.memory_space<hbm>>
      tpu.enqueue_dma source(%arg38 : memref<64x128xf32, #tpu.memory_space<vmem>>) target(%dma_start3A_191 : memref<64x128xf32, #tpu.memory_space<hbm>>) target_semaphore(%arg52 : memref<!tpu.dma_semaphore, #tpu.memory_space<semaphore_mem>>)
      %dma_wait3A_192 = tpu.memref_slice %arg28[%select_n3A, %mul3A_71] : memref<8x128xi32, #tpu.memory_space<vmem>> -> memref<1x64xi32, #tpu.memory_space<vmem>>
      %dma_wait3A_193 = tpu.memref_squeeze %dma_wait3A_192 : memref<1x64xi32, #tpu.memory_space<vmem>> -> memref<64xi32, #tpu.memory_space<vmem>>
      %dma_wait3A_194 = arith.constant 0 : i32
      %dma_wait3A_195 = arith.constant 0 : i32
      %dma_wait3A_196 = tpu.memref_slice %arg33[%dma_wait3A_194, %dma_wait3A_195] : memref<4x128xf32, #tpu.memory_space<vmem_shared>> -> memref<4x128xf32, #tpu.memory_space<vmem_shared>>
      tpu.wait_indirect_dma semaphore(%arg50 : memref<!tpu.dma_semaphore, #tpu.memory_space<semaphore_mem>>) src(%dma_wait3A_196 : memref<4x128xf32, #tpu.memory_space<vmem_shared>>) dst(%arg41 : memref<64x128xf32, #tpu.memory_space<vmem>>)
      %dma_wait3A_197 = tpu.memref_slice %arg29[%select_n3A, %mul3A_71] : memref<8x128xi32, #tpu.memory_space<vmem>> -> memref<1x64xi32, #tpu.memory_space<vmem>>
      %dma_wait3A_198 = tpu.memref_squeeze %dma_wait3A_197 : memref<1x64xi32, #tpu.memory_space<vmem>> -> memref<64xi32, #tpu.memory_space<vmem>>
      %dma_wait3A_199 = arith.constant 0 : i32
      %dma_wait3A_200 = arith.constant 0 : i32
      %dma_wait3A_201 = tpu.memref_slice %arg31[%dma_wait3A_199, %dma_wait3A_200] : memref<512x128xf32, #tpu.memory_space<vmem_shared>> -> memref<512x128xf32, #tpu.memory_space<vmem_shared>>
      tpu.wait_indirect_dma semaphore(%arg51 : memref<!tpu.dma_semaphore, #tpu.memory_space<semaphore_mem>>) src(%dma_wait3A_201 : memref<512x128xf32, #tpu.memory_space<vmem_shared>>) dst(%arg42 : memref<64x128xf32, #tpu.memory_space<vmem>>)
      %scan3A_202 = arith.constant 0 : i32
      %scan3A_203 = arith.constant 0 : i32
      %scan3A_204 = arith.constant 64 : i32
      %scan3A_205 = arith.addi %scan3A_203, %scan3A_204 : i32
      %scan3A_206 = arith.constant 1 : i32
      %scan3A_207 = scf.for %scan3A_213 = %scan3A_203 to %scan3A_205 step %scan3A_206 iter_args(%scan3A_214 = %scan3A_202) -> (i32)  : i32 {
        %get3A = arith.index_cast %scan3A_213 : i32 to index
        %get3A_215 = arith.constant 0 : index
        %get3A_216 = tpu.vector_load %arg42[%get3A, %get3A_215] {strides = array<i32>} : memref<64x128xf32, #tpu.memory_space<vmem>>, vector<1x16xf32>,
        %get3A_217 = vector.shape_cast %get3A_216 : vector<1x16xf32> to vector<16xf32>
        %swap3A = arith.index_cast %scan3A_213 : i32 to index
        %swap3A_218 = arith.constant 0 : index
        %swap3A_219 = tpu.vector_load %arg41[%swap3A, %swap3A_218] {strides = array<i32>} : memref<64x128xf32, #tpu.memory_space<vmem>>, vector<1x16xf32>,
        %swap3A_220 = vector.shape_cast %swap3A_219 : vector<1x16xf32> to vector<16xf32>
        %swap3A_221 = vector.shape_cast %get3A_217 : vector<16xf32> to vector<1x16xf32>
        tpu.vector_store %arg41[%swap3A, %swap3A_218], %swap3A_221 {add = true, strides = array<i32>} : memref<64x128xf32, #tpu.memory_space<vmem>>, vector<1x16xf32>,
        %get3A_222 = arith.index_cast %scan3A_213 : i32 to index
        %get3A_223 = arith.constant 16 : index
        %get3A_224 = tpu.vector_load %arg42[%get3A_222, %get3A_223] {strides = array<i32>} : memref<64x128xf32, #tpu.memory_space<vmem>>, vector<1x16xf32>,
        %get3A_225 = vector.shape_cast %get3A_224 : vector<1x16xf32> to vector<16xf32>
        %swap3A_226 = arith.index_cast %scan3A_213 : i32 to index
        %swap3A_227 = arith.constant 16 : index
        %swap3A_228 = tpu.vector_load %arg41[%swap3A_226, %swap3A_227] {strides = array<i32>} : memref<64x128xf32, #tpu.memory_space<vmem>>, vector<1x16xf32>,
        %swap3A_229 = vector.shape_cast %swap3A_228 : vector<1x16xf32> to vector<16xf32>
        %swap3A_230 = vector.shape_cast %get3A_225 : vector<16xf32> to vector<1x16xf32>
        tpu.vector_store %arg41[%swap3A_226, %swap3A_227], %swap3A_230 {add = true, strides = array<i32>} : memref<64x128xf32, #tpu.memory_space<vmem>>, vector<1x16xf32>,
        %get3A_231 = arith.index_cast %scan3A_213 : i32 to index
        %get3A_232 = arith.constant 32 : index
        %get3A_233 = tpu.vector_load %arg42[%get3A_231, %get3A_232] {strides = array<i32>} : memref<64x128xf32, #tpu.memory_space<vmem>>, vector<1x16xf32>,
        %get3A_234 = vector.shape_cast %get3A_233 : vector<1x16xf32> to vector<16xf32>
        %swap3A_235 = arith.index_cast %scan3A_213 : i32 to index
        %swap3A_236 = arith.constant 32 : index
        %swap3A_237 = tpu.vector_load %arg41[%swap3A_235, %swap3A_236] {strides = array<i32>} : memref<64x128xf32, #tpu.memory_space<vmem>>, vector<1x16xf32>,
        %swap3A_238 = vector.shape_cast %swap3A_237 : vector<1x16xf32> to vector<16xf32>
        %swap3A_239 = vector.shape_cast %get3A_234 : vector<16xf32> to vector<1x16xf32>
        tpu.vector_store %arg41[%swap3A_235, %swap3A_236], %swap3A_239 {add = true, strides = array<i32>} : memref<64x128xf32, #tpu.memory_space<vmem>>, vector<1x16xf32>,
        %get3A_240 = arith.index_cast %scan3A_213 : i32 to index
        %get3A_241 = arith.constant 48 : index
        %get3A_242 = tpu.vector_load %arg42[%get3A_240, %get3A_241] {strides = array<i32>} : memref<64x128xf32, #tpu.memory_space<vmem>>, vector<1x16xf32>,
        %get3A_243 = vector.shape_cast %get3A_242 : vector<1x16xf32> to vector<16xf32>
        %swap3A_244 = arith.index_cast %scan3A_213 : i32 to index
        %swap3A_245 = arith.constant 48 : index
        %swap3A_246 = tpu.vector_load %arg41[%swap3A_244, %swap3A_245] {strides = array<i32>} : memref<64x128xf32, #tpu.memory_space<vmem>>, vector<1x16xf32>,
        %swap3A_247 = vector.shape_cast %swap3A_246 : vector<1x16xf32> to vector<16xf32>
        %swap3A_248 = vector.shape_cast %get3A_243 : vector<16xf32> to vector<1x16xf32>
        tpu.vector_store %arg41[%swap3A_244, %swap3A_245], %swap3A_248 {add = true, strides = array<i32>} : memref<64x128xf32, #tpu.memory_space<vmem>>, vector<1x16xf32>,
        %get3A_249 = arith.index_cast %scan3A_213 : i32 to index
        %get3A_250 = arith.constant 64 : index
        %get3A_251 = tpu.vector_load %arg42[%get3A_249, %get3A_250] {strides = array<i32>} : memref<64x128xf32, #tpu.memory_space<vmem>>, vector<1x16xf32>,
        %get3A_252 = vector.shape_cast %get3A_251 : vector<1x16xf32> to vector<16xf32>
        %swap3A_253 = arith.index_cast %scan3A_213 : i32 to index
        %swap3A_254 = arith.constant 64 : index
        %swap3A_255 = tpu.vector_load %arg41[%swap3A_253, %swap3A_254] {strides = array<i32>} : memref<64x128xf32, #tpu.memory_space<vmem>>, vector<1x16xf32>,
        %swap3A_256 = vector.shape_cast %swap3A_255 : vector<1x16xf32> to vector<16xf32>
        %swap3A_257 = vector.shape_cast %get3A_252 : vector<16xf32> to vector<1x16xf32>
        tpu.vector_store %arg41[%swap3A_253, %swap3A_254], %swap3A_257 {add = true, strides = array<i32>} : memref<64x128xf32, #tpu.memory_space<vmem>>, vector<1x16xf32>,
        %get3A_258 = arith.index_cast %scan3A_213 : i32 to index
        %get3A_259 = arith.constant 80 : index
        %get3A_260 = tpu.vector_load %arg42[%get3A_258, %get3A_259] {strides = array<i32>} : memref<64x128xf32, #tpu.memory_space<vmem>>, vector<1x16xf32>,
        %get3A_261 = vector.shape_cast %get3A_260 : vector<1x16xf32> to vector<16xf32>
        %swap3A_262 = arith.index_cast %scan3A_213 : i32 to index
        %swap3A_263 = arith.constant 80 : index
        %swap3A_264 = tpu.vector_load %arg41[%swap3A_262, %swap3A_263] {strides = array<i32>} : memref<64x128xf32, #tpu.memory_space<vmem>>, vector<1x16xf32>,
        %swap3A_265 = vector.shape_cast %swap3A_264 : vector<1x16xf32> to vector<16xf32>
        %swap3A_266 = vector.shape_cast %get3A_261 : vector<16xf32> to vector<1x16xf32>
        tpu.vector_store %arg41[%swap3A_262, %swap3A_263], %swap3A_266 {add = true, strides = array<i32>} : memref<64x128xf32, #tpu.memory_space<vmem>>, vector<1x16xf32>,
        %get3A_267 = arith.index_cast %scan3A_213 : i32 to index
        %get3A_268 = arith.constant 96 : index
        %get3A_269 = tpu.vector_load %arg42[%get3A_267, %get3A_268] {strides = array<i32>} : memref<64x128xf32, #tpu.memory_space<vmem>>, vector<1x16xf32>,
        %get3A_270 = vector.shape_cast %get3A_269 : vector<1x16xf32> to vector<16xf32>
        %swap3A_271 = arith.index_cast %scan3A_213 : i32 to index
        %swap3A_272 = arith.constant 96 : index
        %swap3A_273 = tpu.vector_load %arg41[%swap3A_271, %swap3A_272] {strides = array<i32>} : memref<64x128xf32, #tpu.memory_space<vmem>>, vector<1x16xf32>,
        %swap3A_274 = vector.shape_cast %swap3A_273 : vector<1x16xf32> to vector<16xf32>
        %swap3A_275 = vector.shape_cast %get3A_270 : vector<16xf32> to vector<1x16xf32>
        tpu.vector_store %arg41[%swap3A_271, %swap3A_272], %swap3A_275 {add = true, strides = array<i32>} : memref<64x128xf32, #tpu.memory_space<vmem>>, vector<1x16xf32>,
        %get3A_276 = arith.index_cast %scan3A_213 : i32 to index
        %get3A_277 = arith.constant 112 : index
        %get3A_278 = tpu.vector_load %arg42[%get3A_276, %get3A_277] {strides = array<i32>} : memref<64x128xf32, #tpu.memory_space<vmem>>, vector<1x16xf32>,
        %get3A_279 = vector.shape_cast %get3A_278 : vector<1x16xf32> to vector<16xf32>
        %swap3A_280 = arith.index_cast %scan3A_213 : i32 to index
        %swap3A_281 = arith.constant 112 : index
        %swap3A_282 = tpu.vector_load %arg41[%swap3A_280, %swap3A_281] {strides = array<i32>} : memref<64x128xf32, #tpu.memory_space<vmem>>, vector<1x16xf32>,
        %swap3A_283 = vector.shape_cast %swap3A_282 : vector<1x16xf32> to vector<16xf32>
        %swap3A_284 = vector.shape_cast %get3A_279 : vector<16xf32> to vector<1x16xf32>
        tpu.vector_store %arg41[%swap3A_280, %swap3A_281], %swap3A_284 {add = true, strides = array<i32>} : memref<64x128xf32, #tpu.memory_space<vmem>>, vector<1x16xf32>,
        %scan3A_285 = arith.constant 0 : i32
        scf.yield %scan3A_285 : i32
      }
      %scan3A_208 = arith.constant 64 : i32
      %dma_start3A_209 = arith.constant 0 : i32
      %dma_start3A_210 = tpu.memref_slice %arg20[%add3A_38, %dma_start3A_209] : memref<20480x128xf32, #tpu.memory_space<hbm>> -> memref<64x128xf32, #tpu.memory_space<hbm>>
      %dma_start3A_211 = arith.constant 0 : i32
      %dma_start3A_212 = tpu.memref_slice %arg20[%add3A_38, %dma_start3A_211] : memref<20480x128xf32, #tpu.memory_space<hbm>> -> memref<64x128xf32, #tpu.memory_space<hbm>>
      tpu.enqueue_dma source(%arg41 : memref<64x128xf32, #tpu.memory_space<vmem>>) target(%dma_start3A_212 : memref<64x128xf32, #tpu.memory_space<hbm>>) target_semaphore(%arg52 : memref<!tpu.dma_semaphore, #tpu.memory_space<semaphore_mem>>)
    }
    %scan3A_9 = arith.constant 10 : i32
    %mul3A_10 = arith.constant 640 : i32
    %mul3A_11 = arith.muli %add3A, %mul3A_10 : i32
    %add3A_12 = arith.constant 576 : i32
    %add3A_13 = arith.addi %mul3A_11, %add3A_12 : i32
    %dma_wait3A = arith.constant 0 : i32
    %dma_wait3A_14 = tpu.memref_slice %arg16[%add3A_13, %dma_wait3A] : memref<20480x128xf32, #tpu.memory_space<hbm>> -> memref<64x128xf32, #tpu.memory_space<hbm>>
    %dma_wait3A_15 = arith.constant 0 : i32
    %dma_wait3A_16 = tpu.memref_slice %arg16[%add3A_13, %dma_wait3A_15] : memref<20480x128xf32, #tpu.memory_space<hbm>> -> memref<64x128xf32, #tpu.memory_space<hbm>>
    tpu.wait_dma2 semaphore(%arg52 : memref<!tpu.dma_semaphore, #tpu.memory_space<semaphore_mem>>) src(%arg34 : memref<64x128xf32, #tpu.memory_space<vmem>>) dst(%dma_wait3A_16 : memref<64x128xf32, #tpu.memory_space<hbm>>)
    %dma_wait3A_17 = arith.constant 0 : i32
    %dma_wait3A_18 = tpu.memref_slice %arg17[%add3A_13, %dma_wait3A_17] : memref<20480x128xf32, #tpu.memory_space<hbm>> -> memref<64x128xf32, #tpu.memory_space<hbm>>
    %dma_wait3A_19 = arith.constant 0 : i32
    %dma_wait3A_20 = tpu.memref_slice %arg17[%add3A_13, %dma_wait3A_19] : memref<20480x128xf32, #tpu.memory_space<hbm>> -> memref<64x128xf32, #tpu.memory_space<hbm>>
    tpu.wait_dma2 semaphore(%arg52 : memref<!tpu.dma_semaphore, #tpu.memory_space<semaphore_mem>>) src(%arg36 : memref<64x128xf32, #tpu.memory_space<vmem>>) dst(%dma_wait3A_20 : memref<64x128xf32, #tpu.memory_space<hbm>>)
    %dma_wait3A_21 = arith.constant 0 : i32
    %dma_wait3A_22 = tpu.memref_slice %arg18[%add3A_13, %dma_wait3A_21] : memref<20480x128xf32, #tpu.memory_space<hbm>> -> memref<64x128xf32, #tpu.memory_space<hbm>>
    %dma_wait3A_23 = arith.constant 0 : i32
    %dma_wait3A_24 = tpu.memref_slice %arg18[%add3A_13, %dma_wait3A_23] : memref<20480x128xf32, #tpu.memory_space<hbm>> -> memref<64x128xf32, #tpu.memory_space<hbm>>
    tpu.wait_dma2 semaphore(%arg52 : memref<!tpu.dma_semaphore, #tpu.memory_space<semaphore_mem>>) src(%arg37 : memref<64x128xf32, #tpu.memory_space<vmem>>) dst(%dma_wait3A_24 : memref<64x128xf32, #tpu.memory_space<hbm>>)
    %dma_wait3A_25 = arith.constant 0 : i32
    %dma_wait3A_26 = tpu.memref_slice %arg19[%add3A_13, %dma_wait3A_25] : memref<20480x128xf32, #tpu.memory_space<hbm>> -> memref<64x128xf32, #tpu.memory_space<hbm>>
    %dma_wait3A_27 = arith.constant 0 : i32
    %dma_wait3A_28 = tpu.memref_slice %arg19[%add3A_13, %dma_wait3A_27] : memref<20480x128xf32, #tpu.memory_space<hbm>> -> memref<64x128xf32, #tpu.memory_space<hbm>>
    tpu.wait_dma2 semaphore(%arg52 : memref<!tpu.dma_semaphore, #tpu.memory_space<semaphore_mem>>) src(%arg38 : memref<64x128xf32, #tpu.memory_space<vmem>>) dst(%dma_wait3A_28 : memref<64x128xf32, #tpu.memory_space<hbm>>)
    %dma_wait3A_29 = arith.constant 0 : i32
    %dma_wait3A_30 = tpu.memref_slice %arg20[%add3A_13, %dma_wait3A_29] : memref<20480x128xf32, #tpu.memory_space<hbm>> -> memref<64x128xf32, #tpu.memory_space<hbm>>
    %dma_wait3A_31 = arith.constant 0 : i32
    %dma_wait3A_32 = tpu.memref_slice %arg20[%add3A_13, %dma_wait3A_31] : memref<20480x128xf32, #tpu.memory_space<hbm>> -> memref<64x128xf32, #tpu.memory_space<hbm>>
    tpu.wait_dma2 semaphore(%arg52 : memref<!tpu.dma_semaphore, #tpu.memory_space<semaphore_mem>>) src(%arg41 : memref<64x128xf32, #tpu.memory_space<vmem>>) dst(%dma_wait3A_32 : memref<64x128xf32, #tpu.memory_space<hbm>>)
    return
  }
}

module attributes {stable_mosaic.version = 14 : i64} {
  func.func @_norm_tables_body(%arg0: memref<1024x128xf32, #tpu.memory_space<vmem>>, %arg1: memref<512x128xf32, #tpu.memory_space<vmem>>, %arg2: memref<512x128xf32, #tpu.memory_space<vmem>>, %arg3: memref<4x128xf32, #tpu.memory_space<vmem>>, %arg4: memref<128xf32, #tpu.memory_space<vmem>>, %arg5: memref<128xf32, #tpu.memory_space<vmem>>, %arg6: memref<128xf32, #tpu.memory_space<vmem>>, %arg7: memref<128xf32, #tpu.memory_space<vmem>>, %arg8: memref<128xf32, #tpu.memory_space<vmem>>, %arg9: memref<128xf32, #tpu.memory_space<vmem>>, %arg10: memref<128xf32, #tpu.memory_space<vmem>>, %arg11: memref<128xf32, #tpu.memory_space<vmem>>, %arg12: memref<1024x128xf32, #tpu.memory_space<vmem>>, %arg13: memref<512x128xf32, #tpu.memory_space<vmem>>, %arg14: memref<512x128xf32, #tpu.memory_space<vmem>>, %arg15: memref<4x128xf32, #tpu.memory_space<vmem>>) attributes {dimension_semantics = [], scalar_prefetch = 0 : i64, scratch_operands = 0 : i64, tpu.core_type = #tpu.core_type<tc>} {
    %get3A = arith.constant 0 : index
    %get3A_0 = arith.constant 0 : index
    %get3A_1 = vector.load %arg0[%get3A, %get3A_0] : memref<1024x128xf32, #tpu.memory_space<vmem>>, vector<1024x128xf32>
    %reduce_sum3A = arith.constant dense<0.000000e+00> : vector<1024xf32>
    %reduce_sum3A_2 = vector.multi_reduction <add>, %get3A_1, %reduce_sum3A [1] : vector<1024x128xf32> to vector<1024xf32>
    %broadcast_in_dim3A = vector.shape_cast %reduce_sum3A_2 : vector<1024xf32> to vector<1024x1xf32>
    %div3A = arith.constant 1.280000e+02 : f32
    %div3A_3 = vector.broadcast %div3A : f32 to vector<1024x1xf32>
    %div3A_4 = arith.divf %broadcast_in_dim3A, %div3A_3 : vector<1024x1xf32>
    %sub3A = vector.broadcast %div3A_4 : vector<1024x1xf32> to vector<1024x128xf32>
    %sub3A_5 = arith.subf %get3A_1, %sub3A : vector<1024x128xf32>
    %integer_pow3A = arith.mulf %sub3A_5, %sub3A_5 : vector<1024x128xf32>
    %reduce_sum3A_6 = arith.constant dense<0.000000e+00> : vector<1024xf32>
    %reduce_sum3A_7 = vector.multi_reduction <add>, %integer_pow3A, %reduce_sum3A_6 [1] : vector<1024x128xf32> to vector<1024xf32>
    %broadcast_in_dim3A_8 = vector.shape_cast %reduce_sum3A_7 : vector<1024xf32> to vector<1024x1xf32>
    %div3A_9 = arith.constant 1.280000e+02 : f32
    %div3A_10 = vector.broadcast %div3A_9 : f32 to vector<1024x1xf32>
    %div3A_11 = arith.divf %broadcast_in_dim3A_8, %div3A_10 : vector<1024x1xf32>
    %sub3A_12 = vector.broadcast %div3A_4 : vector<1024x1xf32> to vector<1024x128xf32>
    %sub3A_13 = arith.subf %get3A_1, %sub3A_12 : vector<1024x128xf32>
    %add3A = arith.constant 9.99999974E-6 : f32
    %add3A_14 = vector.broadcast %add3A : f32 to vector<1024x1xf32>
    %add3A_15 = arith.addf %div3A_11, %add3A_14 : vector<1024x1xf32>
    %sqrt3A = math.sqrt %add3A_15 : vector<1024x1xf32>
    %div3A_16 = vector.broadcast %sqrt3A : vector<1024x1xf32> to vector<1024x128xf32>
    %div3A_17 = arith.divf %sub3A_13, %div3A_16 : vector<1024x128xf32>
    %get3A_18 = arith.constant 0 : index
    %get3A_19 = vector.load %arg4[%get3A_18] : memref<128xf32, #tpu.memory_space<vmem>>, vector<128xf32>
    %broadcast_in_dim3A_20 = vector.shape_cast %get3A_19 : vector<128xf32> to vector<1x128xf32>
    %mul3A = vector.broadcast %broadcast_in_dim3A_20 : vector<1x128xf32> to vector<1024x128xf32>
    %mul3A_21 = arith.mulf %div3A_17, %mul3A : vector<1024x128xf32>
    %get3A_22 = arith.constant 0 : index
    %get3A_23 = vector.load %arg5[%get3A_22] : memref<128xf32, #tpu.memory_space<vmem>>, vector<128xf32>
    %broadcast_in_dim3A_24 = vector.shape_cast %get3A_23 : vector<128xf32> to vector<1x128xf32>
    %add3A_25 = vector.broadcast %broadcast_in_dim3A_24 : vector<1x128xf32> to vector<1024x128xf32>
    %add3A_26 = arith.addf %mul3A_21, %add3A_25 : vector<1024x128xf32>
    %swap3A = arith.constant 0 : index
    %swap3A_27 = arith.constant 0 : index
    %swap3A_28 = vector.load %arg12[%swap3A, %swap3A_27] : memref<1024x128xf32, #tpu.memory_space<vmem>>, vector<1024x128xf32>
    tpu.vector_store %arg12[%swap3A, %swap3A_27], %add3A_26 {strides = array<i32>} : memref<1024x128xf32, #tpu.memory_space<vmem>>, vector<1024x128xf32>,
    %get3A_29 = arith.constant 0 : index
    %get3A_30 = arith.constant 0 : index
    %get3A_31 = vector.load %arg1[%get3A_29, %get3A_30] : memref<512x128xf32, #tpu.memory_space<vmem>>, vector<512x128xf32>
    %reduce_sum3A_32 = arith.constant dense<0.000000e+00> : vector<512xf32>
    %reduce_sum3A_33 = vector.multi_reduction <add>, %get3A_31, %reduce_sum3A_32 [1] : vector<512x128xf32> to vector<512xf32>
    %broadcast_in_dim3A_34 = vector.shape_cast %reduce_sum3A_33 : vector<512xf32> to vector<512x1xf32>
    %div3A_35 = arith.constant 1.280000e+02 : f32
    %div3A_36 = vector.broadcast %div3A_35 : f32 to vector<512x1xf32>
    %div3A_37 = arith.divf %broadcast_in_dim3A_34, %div3A_36 : vector<512x1xf32>
    %sub3A_38 = vector.broadcast %div3A_37 : vector<512x1xf32> to vector<512x128xf32>
    %sub3A_39 = arith.subf %get3A_31, %sub3A_38 : vector<512x128xf32>
    %integer_pow3A_40 = arith.mulf %sub3A_39, %sub3A_39 : vector<512x128xf32>
    %reduce_sum3A_41 = arith.constant dense<0.000000e+00> : vector<512xf32>
    %reduce_sum3A_42 = vector.multi_reduction <add>, %integer_pow3A_40, %reduce_sum3A_41 [1] : vector<512x128xf32> to vector<512xf32>
    %broadcast_in_dim3A_43 = vector.shape_cast %reduce_sum3A_42 : vector<512xf32> to vector<512x1xf32>
    %div3A_44 = arith.constant 1.280000e+02 : f32
    %div3A_45 = vector.broadcast %div3A_44 : f32 to vector<512x1xf32>
    %div3A_46 = arith.divf %broadcast_in_dim3A_43, %div3A_45 : vector<512x1xf32>
    %sub3A_47 = vector.broadcast %div3A_37 : vector<512x1xf32> to vector<512x128xf32>
    %sub3A_48 = arith.subf %get3A_31, %sub3A_47 : vector<512x128xf32>
    %add3A_49 = arith.constant 9.99999974E-6 : f32
    %add3A_50 = vector.broadcast %add3A_49 : f32 to vector<512x1xf32>
    %add3A_51 = arith.addf %div3A_46, %add3A_50 : vector<512x1xf32>
    %sqrt3A_52 = math.sqrt %add3A_51 : vector<512x1xf32>
    %div3A_53 = vector.broadcast %sqrt3A_52 : vector<512x1xf32> to vector<512x128xf32>
    %div3A_54 = arith.divf %sub3A_48, %div3A_53 : vector<512x128xf32>
    %get3A_55 = arith.constant 0 : index
    %get3A_56 = vector.load %arg6[%get3A_55] : memref<128xf32, #tpu.memory_space<vmem>>, vector<128xf32>
    %broadcast_in_dim3A_57 = vector.shape_cast %get3A_56 : vector<128xf32> to vector<1x128xf32>
    %mul3A_58 = vector.broadcast %broadcast_in_dim3A_57 : vector<1x128xf32> to vector<512x128xf32>
    %mul3A_59 = arith.mulf %div3A_54, %mul3A_58 : vector<512x128xf32>
    %get3A_60 = arith.constant 0 : index
    %get3A_61 = vector.load %arg7[%get3A_60] : memref<128xf32, #tpu.memory_space<vmem>>, vector<128xf32>
    %broadcast_in_dim3A_62 = vector.shape_cast %get3A_61 : vector<128xf32> to vector<1x128xf32>
    %add3A_63 = vector.broadcast %broadcast_in_dim3A_62 : vector<1x128xf32> to vector<512x128xf32>
    %add3A_64 = arith.addf %mul3A_59, %add3A_63 : vector<512x128xf32>
    %swap3A_65 = arith.constant 0 : index
    %swap3A_66 = arith.constant 0 : index
    %swap3A_67 = vector.load %arg13[%swap3A_65, %swap3A_66] : memref<512x128xf32, #tpu.memory_space<vmem>>, vector<512x128xf32>
    tpu.vector_store %arg13[%swap3A_65, %swap3A_66], %add3A_64 {strides = array<i32>} : memref<512x128xf32, #tpu.memory_space<vmem>>, vector<512x128xf32>,
    %get3A_68 = arith.constant 0 : index
    %get3A_69 = arith.constant 0 : index
    %get3A_70 = vector.load %arg2[%get3A_68, %get3A_69] : memref<512x128xf32, #tpu.memory_space<vmem>>, vector<512x128xf32>
    %reduce_sum3A_71 = arith.constant dense<0.000000e+00> : vector<512xf32>
    %reduce_sum3A_72 = vector.multi_reduction <add>, %get3A_70, %reduce_sum3A_71 [1] : vector<512x128xf32> to vector<512xf32>
    %broadcast_in_dim3A_73 = vector.shape_cast %reduce_sum3A_72 : vector<512xf32> to vector<512x1xf32>
    %div3A_74 = arith.constant 1.280000e+02 : f32
    %div3A_75 = vector.broadcast %div3A_74 : f32 to vector<512x1xf32>
    %div3A_76 = arith.divf %broadcast_in_dim3A_73, %div3A_75 : vector<512x1xf32>
    %sub3A_77 = vector.broadcast %div3A_76 : vector<512x1xf32> to vector<512x128xf32>
    %sub3A_78 = arith.subf %get3A_70, %sub3A_77 : vector<512x128xf32>
    %integer_pow3A_79 = arith.mulf %sub3A_78, %sub3A_78 : vector<512x128xf32>
    %reduce_sum3A_80 = arith.constant dense<0.000000e+00> : vector<512xf32>
    %reduce_sum3A_81 = vector.multi_reduction <add>, %integer_pow3A_79, %reduce_sum3A_80 [1] : vector<512x128xf32> to vector<512xf32>
    %broadcast_in_dim3A_82 = vector.shape_cast %reduce_sum3A_81 : vector<512xf32> to vector<512x1xf32>
    %div3A_83 = arith.constant 1.280000e+02 : f32
    %div3A_84 = vector.broadcast %div3A_83 : f32 to vector<512x1xf32>
    %div3A_85 = arith.divf %broadcast_in_dim3A_82, %div3A_84 : vector<512x1xf32>
    %sub3A_86 = vector.broadcast %div3A_76 : vector<512x1xf32> to vector<512x128xf32>
    %sub3A_87 = arith.subf %get3A_70, %sub3A_86 : vector<512x128xf32>
    %add3A_88 = arith.constant 9.99999974E-6 : f32
    %add3A_89 = vector.broadcast %add3A_88 : f32 to vector<512x1xf32>
    %add3A_90 = arith.addf %div3A_85, %add3A_89 : vector<512x1xf32>
    %sqrt3A_91 = math.sqrt %add3A_90 : vector<512x1xf32>
    %div3A_92 = vector.broadcast %sqrt3A_91 : vector<512x1xf32> to vector<512x128xf32>
    %div3A_93 = arith.divf %sub3A_87, %div3A_92 : vector<512x128xf32>
    %get3A_94 = arith.constant 0 : index
    %get3A_95 = vector.load %arg8[%get3A_94] : memref<128xf32, #tpu.memory_space<vmem>>, vector<128xf32>
    %broadcast_in_dim3A_96 = vector.shape_cast %get3A_95 : vector<128xf32> to vector<1x128xf32>
    %mul3A_97 = vector.broadcast %broadcast_in_dim3A_96 : vector<1x128xf32> to vector<512x128xf32>
    %mul3A_98 = arith.mulf %div3A_93, %mul3A_97 : vector<512x128xf32>
    %get3A_99 = arith.constant 0 : index
    %get3A_100 = vector.load %arg9[%get3A_99] : memref<128xf32, #tpu.memory_space<vmem>>, vector<128xf32>
    %broadcast_in_dim3A_101 = vector.shape_cast %get3A_100 : vector<128xf32> to vector<1x128xf32>
    %add3A_102 = vector.broadcast %broadcast_in_dim3A_101 : vector<1x128xf32> to vector<512x128xf32>
    %add3A_103 = arith.addf %mul3A_98, %add3A_102 : vector<512x128xf32>
    %swap3A_104 = arith.constant 0 : index
    %swap3A_105 = arith.constant 0 : index
    %swap3A_106 = vector.load %arg14[%swap3A_104, %swap3A_105] : memref<512x128xf32, #tpu.memory_space<vmem>>, vector<512x128xf32>
    tpu.vector_store %arg14[%swap3A_104, %swap3A_105], %add3A_103 {strides = array<i32>} : memref<512x128xf32, #tpu.memory_space<vmem>>, vector<512x128xf32>,
    %get3A_107 = arith.constant 0 : index
    %get3A_108 = arith.constant 0 : index
    %get3A_109 = vector.load %arg3[%get3A_107, %get3A_108] : memref<4x128xf32, #tpu.memory_space<vmem>>, vector<4x128xf32>
    %reduce_sum3A_110 = arith.constant dense<0.000000e+00> : vector<4xf32>
    %reduce_sum3A_111 = vector.multi_reduction <add>, %get3A_109, %reduce_sum3A_110 [1] : vector<4x128xf32> to vector<4xf32>
    %broadcast_in_dim3A_112 = vector.shape_cast %reduce_sum3A_111 : vector<4xf32> to vector<4x1xf32>
    %div3A_113 = arith.constant 1.280000e+02 : f32
    %div3A_114 = vector.broadcast %div3A_113 : f32 to vector<4x1xf32>
    %div3A_115 = arith.divf %broadcast_in_dim3A_112, %div3A_114 : vector<4x1xf32>
    %sub3A_116 = vector.broadcast %div3A_115 : vector<4x1xf32> to vector<4x128xf32>
    %sub3A_117 = arith.subf %get3A_109, %sub3A_116 : vector<4x128xf32>
    %integer_pow3A_118 = arith.mulf %sub3A_117, %sub3A_117 : vector<4x128xf32>
    %reduce_sum3A_119 = arith.constant dense<0.000000e+00> : vector<4xf32>
    %reduce_sum3A_120 = vector.multi_reduction <add>, %integer_pow3A_118, %reduce_sum3A_119 [1] : vector<4x128xf32> to vector<4xf32>
    %broadcast_in_dim3A_121 = vector.shape_cast %reduce_sum3A_120 : vector<4xf32> to vector<4x1xf32>
    %div3A_122 = arith.constant 1.280000e+02 : f32
    %div3A_123 = vector.broadcast %div3A_122 : f32 to vector<4x1xf32>
    %div3A_124 = arith.divf %broadcast_in_dim3A_121, %div3A_123 : vector<4x1xf32>
    %sub3A_125 = vector.broadcast %div3A_115 : vector<4x1xf32> to vector<4x128xf32>
    %sub3A_126 = arith.subf %get3A_109, %sub3A_125 : vector<4x128xf32>
    %add3A_127 = arith.constant 9.99999974E-6 : f32
    %add3A_128 = vector.broadcast %add3A_127 : f32 to vector<4x1xf32>
    %add3A_129 = arith.addf %div3A_124, %add3A_128 : vector<4x1xf32>
    %sqrt3A_130 = math.sqrt %add3A_129 : vector<4x1xf32>
    %div3A_131 = vector.broadcast %sqrt3A_130 : vector<4x1xf32> to vector<4x128xf32>
    %div3A_132 = arith.divf %sub3A_126, %div3A_131 : vector<4x128xf32>
    %get3A_133 = arith.constant 0 : index
    %get3A_134 = vector.load %arg10[%get3A_133] : memref<128xf32, #tpu.memory_space<vmem>>, vector<128xf32>
    %broadcast_in_dim3A_135 = vector.shape_cast %get3A_134 : vector<128xf32> to vector<1x128xf32>
    %mul3A_136 = vector.broadcast %broadcast_in_dim3A_135 : vector<1x128xf32> to vector<4x128xf32>
    %mul3A_137 = arith.mulf %div3A_132, %mul3A_136 : vector<4x128xf32>
    %get3A_138 = arith.constant 0 : index
    %get3A_139 = vector.load %arg11[%get3A_138] : memref<128xf32, #tpu.memory_space<vmem>>, vector<128xf32>
    %broadcast_in_dim3A_140 = vector.shape_cast %get3A_139 : vector<128xf32> to vector<1x128xf32>
    %add3A_141 = vector.broadcast %broadcast_in_dim3A_140 : vector<1x128xf32> to vector<4x128xf32>
    %add3A_142 = arith.addf %mul3A_137, %add3A_141 : vector<4x128xf32>
    %swap3A_143 = arith.constant 0 : index
    %swap3A_144 = arith.constant 0 : index
    %swap3A_145 = vector.load %arg15[%swap3A_143, %swap3A_144] : memref<4x128xf32, #tpu.memory_space<vmem>>, vector<4x128xf32>
    tpu.vector_store %arg15[%swap3A_143, %swap3A_144], %add3A_142 {strides = array<i32>} : memref<4x128xf32, #tpu.memory_space<vmem>>, vector<4x128xf32>,
    return
  }
}

module attributes {stable_mosaic.version = 14 : i64} {
  func.func @_finish_body(%arg0: i32, %arg1: memref<1024x20x768xf32, #tpu.memory_space<hbm>>, %arg2: memref<768x128xf32, #tpu.memory_space<vmem>>, %arg3: memref<128xf32, #tpu.memory_space<vmem>>, %arg4: memref<128xf32, #tpu.memory_space<vmem>>, %arg5: memref<128xf32, #tpu.memory_space<vmem>>, %arg6: memref<640x128xf32, #tpu.memory_space<vmem>>, %arg7: memref<640x128xf32, #tpu.memory_space<vmem>>, %arg8: memref<640x128xf32, #tpu.memory_space<vmem>>, %arg9: memref<640x128xf32, #tpu.memory_space<vmem>>, %arg10: memref<640x128xf32, #tpu.memory_space<vmem>>, %arg11: memref<128xf32, #tpu.memory_space<vmem>>, %arg12: memref<128xf32, #tpu.memory_space<vmem>>, %arg13: memref<2560x128xf32, #tpu.memory_space<vmem>>, %arg14: memref<2x32x20x768xf32, #tpu.memory_space<vmem>>, %arg15: memref<2x!tpu.dma_semaphore, #tpu.memory_space<semaphore_mem>>) attributes {dimension_semantics = [#tpu.dimension_semantics<arbitrary>], iteration_bounds = array<i64: 32>, scalar_prefetch = 0 : i64, scratch_operands = 2 : i64, tpu.core_type = #tpu.core_type<tc>, window_params = [{}, {pipeline_mode = #tpu.pipeline_mode<synchronous>, transform_indices = @transform_1, window_bounds = array<i64: 768, 128>}, {pipeline_mode = #tpu.pipeline_mode<synchronous>, transform_indices = @transform_2, window_bounds = array<i64: 128>}, {pipeline_mode = #tpu.pipeline_mode<synchronous>, transform_indices = @transform_3, window_bounds = array<i64: 128>}, {pipeline_mode = #tpu.pipeline_mode<synchronous>, transform_indices = @transform_4, window_bounds = array<i64: 128>}, {transform_indices = @transform_5, window_bounds = array<i64: 640, 128>}, {transform_indices = @transform_6, window_bounds = array<i64: 640, 128>}, {transform_indices = @transform_7, window_bounds = array<i64: 640, 128>}, {transform_indices = @transform_8, window_bounds = array<i64: 640, 128>}, {transform_indices = @transform_9, window_bounds = array<i64: 640, 128>}, {pipeline_mode = #tpu.pipeline_mode<synchronous>, transform_indices = @transform_10, window_bounds = array<i64: 128>}, {pipeline_mode = #tpu.pipeline_mode<synchronous>, transform_indices = @transform_11, window_bounds = array<i64: 128>}, {transform_indices = @transform_12, window_bounds = array<i64: 2560, 128>}]} {
    %eq3A = arith.constant 0 : i32
    %eq3A_0 = arith.cmpi eq, %arg0, %eq3A : i32
    %convert_element_type3A = arith.extui %eq3A_0 : i1 to i32
    %cond3A = arith.constant 0 : i32
    %cond3A_1 = arith.cmpi ne, %convert_element_type3A, %cond3A : i32
    scf.if %cond3A_1 {
      %dma_start3A = arith.constant 0 : i32
      %dma_start3A_144 = arith.constant 0 : i32
      %dma_start3A_145 = tpu.memref_slice %arg15[%dma_start3A_144] : memref<2x!tpu.dma_semaphore, #tpu.memory_space<semaphore_mem>> -> memref<1x!tpu.dma_semaphore, #tpu.memory_space<semaphore_mem>>
      %dma_start3A_146 = tpu.memref_squeeze %dma_start3A_145 : memref<1x!tpu.dma_semaphore, #tpu.memory_space<semaphore_mem>> -> memref<!tpu.dma_semaphore, #tpu.memory_space<semaphore_mem>>
      %dma_start3A_147 = arith.constant 0 : i32
      %dma_start3A_148 = arith.constant 0 : i32
      %dma_start3A_149 = arith.constant 0 : i32
      %dma_start3A_150 = tpu.memref_slice %arg14[%dma_start3A, %dma_start3A_147, %dma_start3A_148, %dma_start3A_149] : memref<2x32x20x768xf32, #tpu.memory_space<vmem>> -> memref<1x32x20x768xf32, #tpu.memory_space<vmem>>
      %dma_start3A_151 = tpu.memref_squeeze %dma_start3A_150 : memref<1x32x20x768xf32, #tpu.memory_space<vmem>> -> memref<32x20x768xf32, #tpu.memory_space<vmem>>
      %dma_start3A_152 = arith.constant 0 : i32
      %dma_start3A_153 = arith.constant 0 : i32
      %dma_start3A_154 = arith.constant 0 : i32
      %dma_start3A_155 = tpu.memref_slice %arg1[%dma_start3A_152, %dma_start3A_153, %dma_start3A_154] : memref<1024x20x768xf32, #tpu.memory_space<hbm>> -> memref<32x20x768xf32, #tpu.memory_space<hbm>>
      tpu.enqueue_dma source(%dma_start3A_155 : memref<32x20x768xf32, #tpu.memory_space<hbm>>) target(%dma_start3A_151 : memref<32x20x768xf32, #tpu.memory_space<vmem>>) target_semaphore(%dma_start3A_146 : memref<!tpu.dma_semaphore, #tpu.memory_space<semaphore_mem>>)
    } else {
    }
    %add3A = arith.constant 1 : i32
    %add3A_2 = arith.addi %arg0, %add3A : i32
    %lt3A = arith.constant 32 : i32
    %lt3A_3 = arith.cmpi slt, %add3A_2, %lt3A : i32
    %convert_element_type3A_4 = arith.extui %lt3A_3 : i1 to i32
    %cond3A_5 = arith.constant 0 : i32
    %cond3A_6 = arith.cmpi ne, %convert_element_type3A_4, %cond3A_5 : i32
    scf.if %cond3A_6 {
      %add3A_144 = arith.constant 1 : i32
      %add3A_145 = arith.addi %arg0, %add3A_144 : i32
      %add3A_146 = arith.constant 1 : i32
      %add3A_147 = arith.addi %arg0, %add3A_146 : i32
      %jit3A_148 = arith.constant 2 : i32
      %eq3A_149 = arith.constant 0 : i32
      %eq3A_150 = arith.cmpi eq, %jit3A_148, %eq3A_149 : i32
      %jit3A_151 = arith.constant 1 : i32
      %select_n3A_152 = arith.select %eq3A_150, %jit3A_151, %jit3A_148 : i32
      %rem3A_153 = arith.remsi %add3A_147, %select_n3A_152 : i32
      %ne3A_154 = arith.constant 0 : i32
      %ne3A_155 = arith.cmpi ne, %rem3A_153, %ne3A_154 : i32
      %lt3A_156 = arith.constant 0 : i32
      %lt3A_157 = arith.cmpi slt, %rem3A_153, %lt3A_156 : i32
      %lt3A_158 = arith.constant 0 : i32
      %lt3A_159 = arith.cmpi slt, %select_n3A_152, %lt3A_158 : i32
      %ne3A_160 = arith.xori %lt3A_157, %lt3A_159 : i1
      %and3A_161 = arith.andi %ne3A_160, %ne3A_155 : i1
      %add3A_162 = arith.addi %rem3A_153, %select_n3A_152 : i32
      %select_n3A_163 = arith.select %and3A_161, %add3A_162, %rem3A_153 : i32
      %mul3A_164 = arith.constant 32 : i32
      %mul3A_165 = arith.muli %add3A_145, %mul3A_164 : i32
      %dma_start3A = tpu.memref_slice %arg15[%select_n3A_163] : memref<2x!tpu.dma_semaphore, #tpu.memory_space<semaphore_mem>> -> memref<1x!tpu.dma_semaphore, #tpu.memory_space<semaphore_mem>>
      %dma_start3A_166 = tpu.memref_squeeze %dma_start3A : memref<1x!tpu.dma_semaphore, #tpu.memory_space<semaphore_mem>> -> memref<!tpu.dma_semaphore, #tpu.memory_space<semaphore_mem>>
      %dma_start3A_167 = arith.constant 0 : i32
      %dma_start3A_168 = arith.constant 0 : i32
      %dma_start3A_169 = arith.constant 0 : i32
      %dma_start3A_170 = tpu.memref_slice %arg14[%select_n3A_163, %dma_start3A_167, %dma_start3A_168, %dma_start3A_169] : memref<2x32x20x768xf32, #tpu.memory_space<vmem>> -> memref<1x32x20x768xf32, #tpu.memory_space<vmem>>
      %dma_start3A_171 = tpu.memref_squeeze %dma_start3A_170 : memref<1x32x20x768xf32, #tpu.memory_space<vmem>> -> memref<32x20x768xf32, #tpu.memory_space<vmem>>
      %dma_start3A_172 = arith.constant 0 : i32
      %dma_start3A_173 = arith.constant 0 : i32
      %dma_start3A_174 = tpu.memref_slice %arg1[%mul3A_165, %dma_start3A_172, %dma_start3A_173] : memref<1024x20x768xf32, #tpu.memory_space<hbm>> -> memref<32x20x768xf32, #tpu.memory_space<hbm>>
      tpu.enqueue_dma source(%dma_start3A_174 : memref<32x20x768xf32, #tpu.memory_space<hbm>>) target(%dma_start3A_171 : memref<32x20x768xf32, #tpu.memory_space<vmem>>) target_semaphore(%dma_start3A_166 : memref<!tpu.dma_semaphore, #tpu.memory_space<semaphore_mem>>)
    } else {
    }
    %jit3A = arith.constant 2 : i32
    %eq3A_7 = arith.constant 0 : i32
    %eq3A_8 = arith.cmpi eq, %jit3A, %eq3A_7 : i32
    %jit3A_9 = arith.constant 1 : i32
    %select_n3A = arith.select %eq3A_8, %jit3A_9, %jit3A : i32
    %rem3A = arith.remsi %arg0, %select_n3A : i32
    %ne3A = arith.constant 0 : i32
    %ne3A_10 = arith.cmpi ne, %rem3A, %ne3A : i32
    %lt3A_11 = arith.constant 0 : i32
    %lt3A_12 = arith.cmpi slt, %rem3A, %lt3A_11 : i32
    %lt3A_13 = arith.constant 0 : i32
    %lt3A_14 = arith.cmpi slt, %select_n3A, %lt3A_13 : i32
    %ne3A_15 = arith.xori %lt3A_12, %lt3A_14 : i1
    %and3A = arith.andi %ne3A_15, %ne3A_10 : i1
    %add3A_16 = arith.addi %rem3A, %select_n3A : i32
    %select_n3A_17 = arith.select %and3A, %add3A_16, %rem3A : i32
    %mul3A = arith.constant 32 : i32
    %mul3A_18 = arith.muli %arg0, %mul3A : i32
    %dma_wait3A = tpu.memref_slice %arg15[%select_n3A_17] : memref<2x!tpu.dma_semaphore, #tpu.memory_space<semaphore_mem>> -> memref<1x!tpu.dma_semaphore, #tpu.memory_space<semaphore_mem>>
    %dma_wait3A_19 = tpu.memref_squeeze %dma_wait3A : memref<1x!tpu.dma_semaphore, #tpu.memory_space<semaphore_mem>> -> memref<!tpu.dma_semaphore, #tpu.memory_space<semaphore_mem>>
    %dma_wait3A_20 = arith.constant 0 : i32
    %dma_wait3A_21 = arith.constant 0 : i32
    %dma_wait3A_22 = arith.constant 0 : i32
    %dma_wait3A_23 = tpu.memref_slice %arg14[%select_n3A_17, %dma_wait3A_20, %dma_wait3A_21, %dma_wait3A_22] : memref<2x32x20x768xf32, #tpu.memory_space<vmem>> -> memref<1x32x20x768xf32, #tpu.memory_space<vmem>>
    %dma_wait3A_24 = tpu.memref_squeeze %dma_wait3A_23 : memref<1x32x20x768xf32, #tpu.memory_space<vmem>> -> memref<32x20x768xf32, #tpu.memory_space<vmem>>
    %dma_wait3A_25 = arith.constant 0 : i32
    %dma_wait3A_26 = arith.constant 0 : i32
    %dma_wait3A_27 = tpu.memref_slice %arg1[%mul3A_18, %dma_wait3A_25, %dma_wait3A_26] : memref<1024x20x768xf32, #tpu.memory_space<hbm>> -> memref<32x20x768xf32, #tpu.memory_space<hbm>>
    tpu.wait_dma2 semaphore(%dma_wait3A_19 : memref<!tpu.dma_semaphore, #tpu.memory_space<semaphore_mem>>) src(%dma_wait3A_27 : memref<32x20x768xf32, #tpu.memory_space<hbm>>) dst(%dma_wait3A_24 : memref<32x20x768xf32, #tpu.memory_space<vmem>>)
    %jit3A_28 = arith.constant 2 : i32
    %eq3A_29 = arith.constant 0 : i32
    %eq3A_30 = arith.cmpi eq, %jit3A_28, %eq3A_29 : i32
    %jit3A_31 = arith.constant 1 : i32
    %select_n3A_32 = arith.select %eq3A_30, %jit3A_31, %jit3A_28 : i32
    %rem3A_33 = arith.remsi %arg0, %select_n3A_32 : i32
    %ne3A_34 = arith.constant 0 : i32
    %ne3A_35 = arith.cmpi ne, %rem3A_33, %ne3A_34 : i32
    %lt3A_36 = arith.constant 0 : i32
    %lt3A_37 = arith.cmpi slt, %rem3A_33, %lt3A_36 : i32
    %lt3A_38 = arith.constant 0 : i32
    %lt3A_39 = arith.cmpi slt, %select_n3A_32, %lt3A_38 : i32
    %ne3A_40 = arith.xori %lt3A_37, %lt3A_39 : i1
    %and3A_41 = arith.andi %ne3A_40, %ne3A_35 : i1
    %add3A_42 = arith.addi %rem3A_33, %select_n3A_32 : i32
    %select_n3A_43 = arith.select %and3A_41, %add3A_42, %rem3A_33 : i32
    %get3A = arith.index_cast %select_n3A_43 : i32 to index
    %get3A_44 = arith.constant 0 : index
    %get3A_45 = arith.constant 0 : index
    %get3A_46 = arith.constant 0 : index
    %get3A_47 = vector.load %arg14[%get3A, %get3A_44, %get3A_45, %get3A_46] : memref<2x32x20x768xf32, #tpu.memory_space<vmem>>, vector<1x32x20x768xf32>
    %get3A_48 = vector.shape_cast %get3A_47 : vector<1x32x20x768xf32> to vector<32x20x768xf32>
    %convert_element_type3A_49 = arith.truncf %get3A_48 : vector<32x20x768xf32> to vector<32x20x768xbf16>
    %reshape3A = vector.shape_cast %convert_element_type3A_49 : vector<32x20x768xbf16> to vector<640x768xbf16>
    %get3A_50 = arith.constant 0 : index
    %get3A_51 = arith.constant 0 : index
    %get3A_52 = vector.load %arg2[%get3A_50, %get3A_51] : memref<768x128xf32, #tpu.memory_space<vmem>>, vector<768x128xf32>
    %convert_element_type3A_53 = arith.truncf %get3A_52 : vector<768x128xf32> to vector<768x128xbf16>
    %dot_general3A = arith.constant dense<0.000000e+00> : vector<640x128xf32>
    %dot_general3A_54 = tpu.matmul %reshape3A, %convert_element_type3A_53, %dot_general3A {dimension_numbers = #tpu.dot_dimension_numbers<[1], [0], [0], [1], [0, 0, 1, 1], [], []>, transpose_lhs_hint = false} : vector<640x768xbf16>, vector<768x128xbf16>, vector<640x128xf32> -> vector<640x128xf32>
    %get3A_55 = arith.constant 0 : index
    %get3A_56 = vector.load %arg3[%get3A_55] : memref<128xf32, #tpu.memory_space<vmem>>, vector<128xf32>
    %broadcast_in_dim3A = vector.shape_cast %get3A_56 : vector<128xf32> to vector<1x128xf32>
    %add3A_57 = vector.broadcast %broadcast_in_dim3A : vector<1x128xf32> to vector<640x128xf32>
    %add3A_58 = arith.addf %dot_general3A_54, %add3A_57 : vector<640x128xf32>
    %reduce_sum3A = arith.constant dense<0.000000e+00> : vector<640xf32>
    %reduce_sum3A_59 = vector.multi_reduction <add>, %add3A_58, %reduce_sum3A [1] : vector<640x128xf32> to vector<640xf32>
    %broadcast_in_dim3A_60 = vector.shape_cast %reduce_sum3A_59 : vector<640xf32> to vector<640x1xf32>
    %div3A = arith.constant 1.280000e+02 : f32
    %div3A_61 = vector.broadcast %div3A : f32 to vector<640x1xf32>
    %div3A_62 = arith.divf %broadcast_in_dim3A_60, %div3A_61 : vector<640x1xf32>
    %sub3A = vector.broadcast %div3A_62 : vector<640x1xf32> to vector<640x128xf32>
    %sub3A_63 = arith.subf %add3A_58, %sub3A : vector<640x128xf32>
    %integer_pow3A = arith.mulf %sub3A_63, %sub3A_63 : vector<640x128xf32>
    %reduce_sum3A_64 = arith.constant dense<0.000000e+00> : vector<640xf32>
    %reduce_sum3A_65 = vector.multi_reduction <add>, %integer_pow3A, %reduce_sum3A_64 [1] : vector<640x128xf32> to vector<640xf32>
    %broadcast_in_dim3A_66 = vector.shape_cast %reduce_sum3A_65 : vector<640xf32> to vector<640x1xf32>
    %div3A_67 = arith.constant 1.280000e+02 : f32
    %div3A_68 = vector.broadcast %div3A_67 : f32 to vector<640x1xf32>
    %div3A_69 = arith.divf %broadcast_in_dim3A_66, %div3A_68 : vector<640x1xf32>
    %sub3A_70 = vector.broadcast %div3A_62 : vector<640x1xf32> to vector<640x128xf32>
    %sub3A_71 = arith.subf %add3A_58, %sub3A_70 : vector<640x128xf32>
    %add3A_72 = arith.constant 9.99999974E-6 : f32
    %add3A_73 = vector.broadcast %add3A_72 : f32 to vector<640x1xf32>
    %add3A_74 = arith.addf %div3A_69, %add3A_73 : vector<640x1xf32>
    %sqrt3A = math.sqrt %add3A_74 : vector<640x1xf32>
    %div3A_75 = vector.broadcast %sqrt3A : vector<640x1xf32> to vector<640x128xf32>
    %div3A_76 = arith.divf %sub3A_71, %div3A_75 : vector<640x128xf32>
    %get3A_77 = arith.constant 0 : index
    %get3A_78 = vector.load %arg4[%get3A_77] : memref<128xf32, #tpu.memory_space<vmem>>, vector<128xf32>
    %broadcast_in_dim3A_79 = vector.shape_cast %get3A_78 : vector<128xf32> to vector<1x128xf32>
    %mul3A_80 = vector.broadcast %broadcast_in_dim3A_79 : vector<1x128xf32> to vector<640x128xf32>
    %mul3A_81 = arith.mulf %div3A_76, %mul3A_80 : vector<640x128xf32>
    %get3A_82 = arith.constant 0 : index
    %get3A_83 = vector.load %arg5[%get3A_82] : memref<128xf32, #tpu.memory_space<vmem>>, vector<128xf32>
    %broadcast_in_dim3A_84 = vector.shape_cast %get3A_83 : vector<128xf32> to vector<1x128xf32>
    %add3A_85 = vector.broadcast %broadcast_in_dim3A_84 : vector<1x128xf32> to vector<640x128xf32>
    %add3A_86 = arith.addf %mul3A_81, %add3A_85 : vector<640x128xf32>
    %get3A_87 = arith.constant 0 : index
    %get3A_88 = arith.constant 0 : index
    %get3A_89 = vector.load %arg6[%get3A_87, %get3A_88] : memref<640x128xf32, #tpu.memory_space<vmem>>, vector<640x128xf32>
    %add3A_90 = arith.addf %add3A_86, %get3A_89 : vector<640x128xf32>
    %reshape3A_91 = vector.shape_cast %add3A_90 : vector<640x128xf32> to vector<32x20x128xf32>
    %get3A_92 = arith.constant 0 : index
    %get3A_93 = arith.constant 0 : index
    %get3A_94 = vector.load %arg7[%get3A_92, %get3A_93] : memref<640x128xf32, #tpu.memory_space<vmem>>, vector<640x128xf32>
    %reduce_sum3A_95 = arith.constant dense<0.000000e+00> : vector<640xf32>
    %reduce_sum3A_96 = vector.multi_reduction <add>, %get3A_94, %reduce_sum3A_95 [1] : vector<640x128xf32> to vector<640xf32>
    %broadcast_in_dim3A_97 = vector.shape_cast %reduce_sum3A_96 : vector<640xf32> to vector<640x1xf32>
    %div3A_98 = arith.constant 1.280000e+02 : f32
    %div3A_99 = vector.broadcast %div3A_98 : f32 to vector<640x1xf32>
    %div3A_100 = arith.divf %broadcast_in_dim3A_97, %div3A_99 : vector<640x1xf32>
    %sub3A_101 = vector.broadcast %div3A_100 : vector<640x1xf32> to vector<640x128xf32>
    %sub3A_102 = arith.subf %get3A_94, %sub3A_101 : vector<640x128xf32>
    %integer_pow3A_103 = arith.mulf %sub3A_102, %sub3A_102 : vector<640x128xf32>
    %reduce_sum3A_104 = arith.constant dense<0.000000e+00> : vector<640xf32>
    %reduce_sum3A_105 = vector.multi_reduction <add>, %integer_pow3A_103, %reduce_sum3A_104 [1] : vector<640x128xf32> to vector<640xf32>
    %broadcast_in_dim3A_106 = vector.shape_cast %reduce_sum3A_105 : vector<640xf32> to vector<640x1xf32>
    %div3A_107 = arith.constant 1.280000e+02 : f32
    %div3A_108 = vector.broadcast %div3A_107 : f32 to vector<640x1xf32>
    %div3A_109 = arith.divf %broadcast_in_dim3A_106, %div3A_108 : vector<640x1xf32>
    %sub3A_110 = vector.broadcast %div3A_100 : vector<640x1xf32> to vector<640x128xf32>
    %sub3A_111 = arith.subf %get3A_94, %sub3A_110 : vector<640x128xf32>
    %add3A_112 = arith.constant 9.99999974E-6 : f32
    %add3A_113 = vector.broadcast %add3A_112 : f32 to vector<640x1xf32>
    %add3A_114 = arith.addf %div3A_109, %add3A_113 : vector<640x1xf32>
    %sqrt3A_115 = math.sqrt %add3A_114 : vector<640x1xf32>
    %div3A_116 = vector.broadcast %sqrt3A_115 : vector<640x1xf32> to vector<640x128xf32>
    %div3A_117 = arith.divf %sub3A_111, %div3A_116 : vector<640x128xf32>
    %get3A_118 = arith.constant 0 : index
    %get3A_119 = vector.load %arg11[%get3A_118] : memref<128xf32, #tpu.memory_space<vmem>>, vector<128xf32>
    %broadcast_in_dim3A_120 = vector.shape_cast %get3A_119 : vector<128xf32> to vector<1x128xf32>
    %mul3A_121 = vector.broadcast %broadcast_in_dim3A_120 : vector<1x128xf32> to vector<640x128xf32>
    %mul3A_122 = arith.mulf %div3A_117, %mul3A_121 : vector<640x128xf32>
    %get3A_123 = arith.constant 0 : index
    %get3A_124 = vector.load %arg12[%get3A_123] : memref<128xf32, #tpu.memory_space<vmem>>, vector<128xf32>
    %broadcast_in_dim3A_125 = vector.shape_cast %get3A_124 : vector<128xf32> to vector<1x128xf32>
    %add3A_126 = vector.broadcast %broadcast_in_dim3A_125 : vector<1x128xf32> to vector<640x128xf32>
    %add3A_127 = arith.addf %mul3A_122, %add3A_126 : vector<640x128xf32>
    %get3A_128 = arith.constant 0 : index
    %get3A_129 = arith.constant 0 : index
    %get3A_130 = vector.load %arg8[%get3A_128, %get3A_129] : memref<640x128xf32, #tpu.memory_space<vmem>>, vector<640x128xf32>
    %add3A_131 = arith.addf %add3A_127, %get3A_130 : vector<640x128xf32>
    %reshape3A_132 = vector.shape_cast %add3A_131 : vector<640x128xf32> to vector<32x20x128xf32>
    %get3A_133 = arith.constant 0 : index
    %get3A_134 = arith.constant 0 : index
    %get3A_135 = vector.load %arg9[%get3A_133, %get3A_134] : memref<640x128xf32, #tpu.memory_space<vmem>>, vector<640x128xf32>
    %reshape3A_136 = vector.shape_cast %get3A_135 : vector<640x128xf32> to vector<32x20x128xf32>
    %get3A_137 = arith.constant 0 : index
    %get3A_138 = arith.constant 0 : index
    %get3A_139 = vector.load %arg10[%get3A_137, %get3A_138] : memref<640x128xf32, #tpu.memory_space<vmem>>, vector<640x128xf32>
    %reshape3A_140 = vector.shape_cast %get3A_139 : vector<640x128xf32> to vector<32x20x128xf32>
    %concatenate3A = tpu.concatenate %reshape3A_91, %reshape3A_132, %reshape3A_136, %reshape3A_140 in 1 : vector<32x20x128xf32>, vector<32x20x128xf32>, vector<32x20x128xf32>, vector<32x20x128xf32> -> vector<32x80x128xf32>
    %reshape3A_141 = vector.shape_cast %concatenate3A : vector<32x80x128xf32> to vector<2560x128xf32>
    %swap3A = arith.constant 0 : index
    %swap3A_142 = arith.constant 0 : index
    %swap3A_143 = vector.load %arg13[%swap3A, %swap3A_142] : memref<2560x128xf32, #tpu.memory_space<vmem>>, vector<2560x128xf32>
    tpu.vector_store %arg13[%swap3A, %swap3A_142], %reshape3A_141 {strides = array<i32>} : memref<2560x128xf32, #tpu.memory_space<vmem>>, vector<2560x128xf32>,
    return
  }
  func.func @transform_1(%arg0: i32) -> (i32, i32) {
    %c0_i32 = arith.constant 0 : i32
    %c0_i32_0 = arith.constant 0 : i32
    %c0_i32_1 = arith.constant 0 : i32
    return %c0_i32, %c0_i32_0 : i32, i32
  }
  func.func @transform_2(%arg0: i32) -> i32 {
    %c0_i32 = arith.constant 0 : i32
    %c0_i32_0 = arith.constant 0 : i32
    return %c0_i32 : i32
  }
  func.func @transform_3(%arg0: i32) -> i32 {
    %c0_i32 = arith.constant 0 : i32
    %c0_i32_0 = arith.constant 0 : i32
    return %c0_i32 : i32
  }
  func.func @transform_4(%arg0: i32) -> i32 {
    %c0_i32 = arith.constant 0 : i32
    %c0_i32_0 = arith.constant 0 : i32
    return %c0_i32 : i32
  }
  func.func @transform_5(%arg0: i32) -> (i32, i32) {
    %c0_i32 = arith.constant 0 : i32
    %c0_i32_0 = arith.constant 0 : i32
    return %arg0, %c0_i32 : i32, i32
  }
  func.func @transform_6(%arg0: i32) -> (i32, i32) {
    %c0_i32 = arith.constant 0 : i32
    %c0_i32_0 = arith.constant 0 : i32
    return %arg0, %c0_i32 : i32, i32
  }
  func.func @transform_7(%arg0: i32) -> (i32, i32) {
    %c0_i32 = arith.constant 0 : i32
    %c0_i32_0 = arith.constant 0 : i32
    return %arg0, %c0_i32 : i32, i32
  }
  func.func @transform_8(%arg0: i32) -> (i32, i32) {
    %c0_i32 = arith.constant 0 : i32
    %c0_i32_0 = arith.constant 0 : i32
    return %arg0, %c0_i32 : i32, i32
  }
  func.func @transform_9(%arg0: i32) -> (i32, i32) {
    %c0_i32 = arith.constant 0 : i32
    %c0_i32_0 = arith.constant 0 : i32
    return %arg0, %c0_i32 : i32, i32
  }
  func.func @transform_10(%arg0: i32) -> i32 {
    %c0_i32 = arith.constant 0 : i32
    %c0_i32_0 = arith.constant 0 : i32
    return %c0_i32 : i32
  }
  func.func @transform_11(%arg0: i32) -> i32 {
    %c0_i32 = arith.constant 0 : i32
    %c0_i32_0 = arith.constant 0 : i32
    return %c0_i32 : i32
  }
  func.func @transform_12(%arg0: i32) -> (i32, i32) {
    %c0_i32 = arith.constant 0 : i32
    %c0_i32_0 = arith.constant 0 : i32
    return %arg0, %c0_i32 : i32, i32
  }
}

</mosaic_0001>

<sc_bundles>
// kernel: kernel.5.cloned.1.call-start
scs
__scs_entry_jumppad:
0x0: {  	(pc) =	sbr.rel $0x88, $3  }
0x1: {  	(tag) =	ssettag $0x0;
	lr =	simm.s32 $0x1  }
0x2: {  	[smem:$0x3F84] =	sst lr;
	_ =	strace $0xD0000000  }
0x3: {  	_ = 	snop  }
0x4: {  	_ = 	snop  }
0x5: {  	_ = 	snop  }
0x6: {  	_ = 	snop  }
0x7: {  	_ = 	snop  }
__scs_overlays_trampoline_lowered:
0x8: {  	[smem:$0x3F93] =	sst s0  }
0x9: {  	[smem:$0x3F94] =	sst s1  }
0xa: {  	[smem:$0x3F95] =	sst s2  }
0xb: {  	[smem:$0x3F96] =	sst s3  }
0xc: {  	[smem:$0x3F97] =	sst s4  }
0xd: {  	[smem:$0x3F98] =	sst s5  }
0xe: {  	[smem:$0x3F99] =	sst s6  }
0xf: {  	[smem:$0x3F9A] =	sst s7  }
0x10: {  	[smem:$0x3F9B] =	sst s8  }
0x11: {  	[smem:$0x3F9C] =	sst s9;
	s0 =	simm.s32 @!p0 $0x0  }
0x12: {  	s1 =	sld [smem:$0x3F82];
	s0 =	simm.s32 @p0 $0x1  }
0x13: {  	[smem:$0x3F9D] =	sst s0;
	s0 =	simm.s32 @!p1 $0x0  }
0x14: {  	s2 =	sld [smem:$0x3F81];
	s0 =	simm.s32 @p1 $0x1  }
0x15: {  	[smem:$0x3F9E] =	sst s0;
	s0 =	simm.s32 @!p2 $0x0  }
0x16: {  	s3 =	sld [smem:$0x3FDB];
	s0 =	simm.s32 @p2 $0x1  }
0x17: {  	s4 =	simm.s32 $0x1BF5;
	[smem:$0x3FA0] =	sst s0  }
0x18: {  	s0 =	sld [smem:$0x3F83];
	_ =	swait.ge [sflag:s4], $0x0  }
0x19: {  	s7 =	sld [smem:$0x3F84]  }
0x1a: {  	s8 =	sadd.s32 $0xFFFFE003, lr  }
0x1b: {  	s9 =	sadd.s32 $0xFFFFFEF7, lr;
	s5 =	simm.s32 $0xFFFFFFFF;
	p2 =	slt.u32 s8, $0xFFFFF086  }
0x1c: {  	p1 =	slt.u32 s9, $0xF7A;
	s5 =	simm.s32 @!p2 $0x0  }
0x1d: {  	s5 =	simm.s32 @p1 $0x1;
	p0 =	seq.s32 s7, s2  }
0x1e: {  	s7 =	smul.u32 @!p0 $0xF7A, s2;
	p2 =	seq.s32 @!p0 s5, $0x0  }
0x1f: {  	s9 =	smul.u32 $0xF7A, s1;
	s8 =	simm.s32 @!p0 $0x1BF5;
	p2 =	por !p2, p0  }
0x20: {  	[sflag:s8] =	ssyncset.s32 @!p0 $0xFFFFF086;
	s6 =	sadd.s32 @!p0 s3, s7;
	s7 =	simm.s32 @!p0 $0x108  }
0x21: {  	s3 =	sadd.s32 s3, s9;
	s6 =	sadd.s32 @!p0 $0x88, s6;
	s7 =	simm.s32 @p2 $0x1082  }
0x22: {  	[simem:s7], [sflag:s8] =	dma.local @!p0 [hbm:s6], $0xF7A  }
0x23: {  	s9 =	sor.u32 $0xD0000000, s2;
	s6 =	simm.s32 $0x108;
	_ =	swait.ge @!p0 [sflag:s8], $0x0  }
0x24: {  	s3 =	sadd.s32 $0x88, s3;
	s6 =	simm.s32 @!p1 $0x1082;
	[sflag:s4] =	ssyncset.s32 $0xFFFFF086  }
0x25: {  	[simem:s6], [sflag:s4] =	dma.local [hbm:s3], $0xF7A  }
0x26: {  	[smem:$0x3F84] =	sst s1;
	(tag) =	ssettag s2;
	_ =	strace s9  }
0x27: {  	s1 =	sld [smem:$0x3F94]  }
0x28: {  	s2 =	sld [smem:$0x3F95]  }
0x29: {  	s4 =	sld [smem:$0x3F97]  }
0x2a: {  	p0 =	seq.s32 s5, $0x0;
	s5 =	sld [smem:$0x3F98]  }
0x2b: {  	s6 =	sld [smem:$0x3F99]  }
0x2c: {  	s7 =	sld [smem:$0x3F9A]  }
0x2d: {  	s3 =	simm.s32 $0x108;
	s8 =	sld [smem:$0x3F9B]  }
0x2e: {  	s3 =	simm.s32 @!p0 $0x1082;
	s9 =	sld [smem:$0x3F9C]  }
0x2f: {  	lr =	sadd.s32 s0, s3;
	s0 =	sld [smem:$0x3F93]  }
0x30: {  	s3 =	sld [smem:$0x3F96]  }
0x31: {  	[smem:$0x3F9F] =	sst s10  }
0x32: {  	s10 =	sld [smem:$0x3F9D];
	_ =	sdelay $0x3  }
0x33: {  	p0 =	seq.s32 s10, $0x1;
	s10 =	sld [smem:$0x3F9F];
	_ =	sdelay $0x3  }
0x34: {  	[smem:$0x3F9F] =	sst s10  }
0x35: {  	s10 =	sld [smem:$0x3F9E];
	_ =	sdelay $0x3  }
0x36: {  	p1 =	seq.s32 s10, $0x1;
	s10 =	sld [smem:$0x3F9F];
	_ =	sdelay $0x3  }
0x37: {  	[smem:$0x3F9F] =	sst s10  }
0x38: {  	s10 =	sld [smem:$0x3FA0]  }
0x39: {  	_ = 	snop;
	(pc) =	sbr.ind lr, $3  }
0x3a: {  	_ = 	snop  }
0x3b: {  	_ = 	snop  }
0x3c: {  	p2 =	seq.s32 s10, $0x1;
	s10 =	sld [smem:$0x3F9F]  }
0x3d: {  	_ =	shalt  }
0x3e: {  	_ =	shalt  }
0x3f: {  	_ =	shalt  }
0x40: {  	_ =	shalt  }
0x41: {  	_ =	shalt  }
0x42: {  	_ =	shalt  }
0x43: {  	_ =	shalt  }
0x44: {  	_ =	shalt  }
0x45: {  	_ =	shalt  }
0x46: {  	_ =	shalt  }
0x47: {  	_ =	shalt  }
0x48: {  	_ =	shalt  }
0x49: {  	_ =	shalt  }
0x4a: {  	_ =	shalt  }
0x4b: {  	_ =	shalt  }
0x4c: {  	_ =	shalt  }
0x4d: {  	_ =	shalt  }
0x4e: {  	_ =	shalt  }
0x4f: {  	_ =	shalt  }
0x50: {  	_ =	shalt  }
0x51: {  	_ =	shalt  }
0x52: {  	_ =	shalt  }
0x53: {  	_ =	shalt  }
0x54: {  	_ =	shalt  }
0x55: {  	_ =	shalt  }
0x56: {  	_ =	shalt  }
0x57: {  	_ =	shalt  }
0x58: {  	_ =	shalt  }
0x59: {  	_ =	shalt  }
0x5a: {  	_ =	shalt  }
0x5b: {  	_ =	shalt  }
0x5c: {  	_ =	shalt  }
0x5d: {  	_ =	shalt  }
0x5e: {  	_ =	shalt  }
0x5f: {  	_ =	shalt  }
0x60: {  	_ =	shalt  }
0x61: {  	_ =	shalt  }
0x62: {  	_ =	shalt  }
0x63: {  	_ =	shalt  }
0x64: {  	_ =	shalt  }
0x65: {  	_ =	shalt  }
0x66: {  	_ =	shalt  }
0x67: {  	_ =	shalt  }
0x68: {  	_ =	shalt  }
0x69: {  	_ =	shalt  }
0x6a: {  	_ =	shalt  }
0x6b: {  	_ =	shalt  }
0x6c: {  	_ =	shalt  }
0x6d: {  	_ =	shalt  }
0x6e: {  	_ =	shalt  }
0x6f: {  	_ =	shalt  }
0x70: {  	_ =	shalt  }
0x71: {  	_ =	shalt  }
0x72: {  	_ =	shalt  }
0x73: {  	_ =	shalt  }
0x74: {  	_ =	shalt  }
0x75: {  	_ =	shalt  }
0x76: {  	_ =	shalt  }
0x77: {  	_ =	shalt  }
0x78: {  	_ =	shalt  }
0x79: {  	_ =	shalt  }
0x7a: {  	_ =	shalt  }
0x7b: {  	_ =	shalt  }
0x7c: {  	_ =	shalt  }
0x7d: {  	_ =	shalt  }
0x7e: {  	_ =	shalt  }
0x7f: {  	_ =	shalt  }
0x80: {  	_ =	shalt  }
0x81: {  	_ =	shalt  }
0x82: {  	_ =	shalt  }
0x83: {  	_ =	shalt  }
0x84: {  	_ =	shalt  }
0x85: {  	_ =	shalt  }
0x86: {  	_ =	shalt  }
0x87: {  	_ =	shalt  }
.Lfunc_end0:
.L_simem_size_0:
called_computation_lowered:
.L_overlay_start_0:
0x88: {  	s2 =	sld [smem:$0x3FD9]  }
0x89: {  	s3 =	sld [smem:$0x3FFE];
	_ =	sdelay $0x1  }
0x8a: {  	s1 =	srdreg.scid  }
0x8b: {  	s0 =	sand.u32 $0x1, s1  }
0x8c: {  	s17 =	sshll.u32 s0, $0xA;
	s2 =	sadd.s32 s3, s2  }
0x8d: {  	s2 =	sadd.s32 s2, s17  }
0x8e: {  	[smem:$0x3FAB] =	sst s2  }
0x8f: {  	_ = 	snop  }
0x90: {  	s2 =	sld [smem:$0x3FBD]  }
0x91: {  	s18 =	sld [smem:$0x3FD0];
	(tm) =	ssettm $0x1  }
0x92: {  	s4 =	sld [smem:$0x3FFB];
	_ =	sdelay $0x3  }
0x93: {  	_ =	strace s4  }
0x94: {  	s4 =	sld [smem:$0x3FFC];
	_ =	sdelay $0x3  }
0x95: {  	_ =	strace s4  }
0x96: {  	s4 =	sld [smem:$0x3FFD];
	_ =	sdelay $0x3  }
0x97: {  	_ =	strace s4  }
0x98: {  	_ =	strace $0x8FFFFFFF  }
0x99: {  	s19 =	sld [smem:$0x3FDB];
	_ =	sdelay $0x1  }
0x9a: {  	s5 =	simm.s32 $_scs_section_size  }
0x9b: {  	s6 =	simm.s32 $_size__tile_overlayer_lowered;
	s7 =	simm.s32 $_tile_overlayer_lowered  }
0x9c: {  	s22 =	simm.s32 $0x1BFF;
	s21 =	sshll.u32 s7, $0x1;
	s4 =	sadd.s32 s5, s19  }
0x9d: {  	s8 =	simm.s32 $0x0;
	s20 =	sshll.u32 s6, $0x1;
	s6 =	sadd.s32 s21, s4  }
0x9e: {  	[timem:s8], [sflag:s22] =	dma.local [hbm:s6], s20  }
0x9f: {  	_ =	swait.ge [sflag:s22], s20  }
0xa0: {  	s5 =	ssub.s32 $0x0, s20;
	[sflag:s22] =	ssyncset.done $0x0  }
0xa1: {  	[sflag:s22] =	ssyncadd.s32 s5;
	_ =	sdelay $0x1  }
0xa2: {  	s23 =	simm.s32 $0x1B8B  }
0xa3: {  	_ =	swait.ge [sflag:s23], $0x1  }
0xa4: {  	[sflag:s23] =	ssyncset.done $0x0  }
0xa5: {  	s25 =	simm.s32 $0x1B8E;
	s24 =	sld [smem:$0x3FFE];
	[sflag:s23] =	ssyncadd.s32 $0xFFFFFFFF  }
0xa6: {  	s26 =	simm.s32 $execute0_lowered;
	[smem:$0x3FD2] =	sst s25  }
0xa7: {  	s6 =	sshll.u32 s26, $0x1;
	_ =	strace $0x80000046;
	[dreg:$0x1] =	wrdreg $0xFFFFFFFF  }
0xa8: {  	s28 =	simm.s32 $_size_execute0_lowered;
	s4 =	sadd.s32 s4, s6;
	[dreg:$0x0] =	wrdreg $0x0  }
0xa9: {  	s6 =	sshll.u32 s28, $0x1;
	[dreg:$0x2] =	wrdreg s4  }
0xaa: {  	[dreg:$0x3] =	wrdreg s6  }
0xab: {  	[dreg:$0x4] =	wrdreg $0xC0  }
0xac: {  	_ =	task [dreg:s8], $0x5FFFF  }
0xad: {  	[dreg:$0x1] =	wrdreg $0xFFFFFFFF  }
0xae: {  	[dreg:$0x0] =	wrdreg $0x60  }
0xaf: {  	[dreg:$0x2] =	wrdreg s24  }
0xb0: {  	[dreg:$0x3] =	wrdreg s2  }
0xb1: {  	[dreg:$0x4] =	wrdreg s18  }
0xb2: {  	[dreg:$0x5] =	wrdreg $0x24000  }
0xb3: {  	[dreg:$0x6] =	wrdreg $0x44000  }
0xb4: {  	[dreg:$0x7] =	wrdreg $0x54000  }
0xb5: {  	[dreg:$0x8] =	wrdreg $0x64000  }
0xb6: {  	[dreg:$0x9] =	wrdreg $0x9  }
0xb7: {  	_ =	task.clear_ibuf [dreg:s8], $0xAFFFF;
	_ =	strace $0x90000046  }
0xb8: {  	s29 =	simm.s32 $0x9;
	_ =	strace $0x80000048  }
0xb9: {  	_ =	swait.ge [sflag:s29], $0x1  }
0xba: {  	[sflag:s29] =	ssyncadd.s32 $0xFFFFFFFF  }
0xbb: {  	_ =	strace $0x90000048  }
0xbc: {  	_ =	sfence  }
0xbd: {  	s30 =	sld [smem:$0x0];
	_ =	sdelay $0x2  }
0xbe: {  	s31 =	sshll.u32 s1, $0xD;
	s1 =	sshrl.u32 s1, $0x2  }
0xbf: {  	s3 =	sand.u32 $0x4000, s31;
	s1 =	sadd.s32 s1, s30  }
0xc0: {  	s0 =	sor.u32 s3, s0;
	s1 =	sshll.u32 s1, $0x11  }
0xc1: {  	s0 =	sor.u32 s1, s0  }
0xc2: {  	s0 =	sadd.s32 $0x8F2B, s0  }
0xc3: {  	[sflag:s0] =	ssyncadd.remote.s32 $0x1  }
0xc4: {  	_ =	sfence.sel $0xFFFF  }
0xc5: {  	[dreg:$0x0] =	wrdreg $0xFFFFFFFF;
	(pc) =	sbr.abs _section_cstart, $3  }
0xc6: {  	[dreg:$0x1] =	wrdreg $0xFFFFFFFF  }
0xc7: {  	_ =	task.clear_ibuf [dreg:s8], $0x2FFFF;
	_ =	strace $0x9FFFFFFF  }
0xc8: {  	(tm) =	ssettm $0x7FFFFFFF  }
0xc9: {  	_ =	shalt  }
tec
execute0_lowered:
.L_overlay_start_1:
0x0: {  	(tag) =	ssettag $0x1  }
0x1: {  	s0 =	rddreg [dreg:$0x0]  }
0x2: {  	s3 =	rddreg [dreg:$0x3]  }
0x3: {  	s4 =	rddreg [dreg:$0x4];
	s7 =	simm.s32 $0x0  }
0x4: {  	s1 =	srdreg.scid;
	s2 =	stileid.u32;
	s29 =	simm.s32 $0x40  }
0x5: {  	s30 =	simm.s32 $0x6420;
	s31 =	simm.s32 $0x8420;
	s9 =	simm.s32 $0xE420  }
0x6: {  	s10 =	simm.s32 $0x10420;
	s11 =	simm.s32 $0x12420;
	s28 =	simm.s32 $0x9  }
0x7: {  	[smem:$0x7FF] =	sst s7;
	s1 =	sand.u32 $0x1, s1;
	s5 =	sshll.u32 s2, $0x1  }
0x8: {  	s6 =	sadd.s32 $0xD400, s0;
	s13 =	sadd.s32 $0x11400, s0;
	s14 =	sadd.s32 $0x13400, s0  }
0x9: {  	_ =	strace $0x80000047;
	[dreg:$0x8] =	wrdreg s6;
	s5 =	sor.u32 s1, s5  }
0xa: {  	s8 =	sadd.s32 $0x15400, s0;
	[dreg:$0x9] =	wrdreg s13;
	s15 =	sshll.u32 s5, $0x7  }
0xb: {  	s12 =	sadd.s32 $0x15600, s0;
	[dreg:$0xa] =	wrdreg s14;
	s6 =	sadd.s32 s15, s0  }
0xc: {  	p0 =	sne.s32 s2, $0x0;
	[dreg:$0xb] =	wrdreg s8;
	s18 =	sadd.s32 $0x4400, s6  }
0xd: {  	s1 =	ssub.s32 $0x2, s1;
	s19 =	sadd.s32 $0x6400, s6;
	[dreg:$0xc] =	wrdreg s18  }
0xe: {  	s13 =	sadd.s32 $0x65600, s0;
	s20 =	sadd.s32 $0x5400, s6;
	[dreg:$0xd] =	wrdreg s19  }
0xf: {  	s14 =	sadd.s32 $0xB5600, s0;
	s21 =	sadd.s32 $0x8400, s6;
	[dreg:$0xe] =	wrdreg s20  }
0x10: {  	s8 =	simm.s32 $0xC420;
	s22 =	sadd.s32 $0x7400, s6;
	[dreg:$0xf] =	wrdreg s21  }
0x11: {  	s16 =	sshrl.u32 s1, $0x1;
	s23 =	sadd.s32 $0xA400, s6;
	[dreg:$0x10] =	wrdreg s22  }
0x12: {  	s15 =	sadd.s32 $0x105600, s0;
	s24 =	sadd.s32 $0x9400, s6;
	[dreg:$0x11] =	wrdreg s23  }
0x13: {  	s17 =	ssub.s32 s1, s16;
	s25 =	sadd.s32 $0xC400, s6;
	[dreg:$0x12] =	wrdreg s24  }
0x14: {  	s1 =	simm.s32 $0xA420;
	s26 =	sadd.s32 $0xB400, s6;
	[dreg:$0x13] =	wrdreg s25  }
0x15: {  	s16 =	simm.s32 $0x14420;
	s0 =	smax.u32 s17, $0x1;
	[dreg:$0x14] =	wrdreg s26  }
0x16: {  	s17 =	simm.s32 $0x16420;
	s25 =	smul.u32 $0x14000, s5;
	[dreg:$0x15] =	wrdreg s0  }
0x17: {  	s18 =	simm.s32 $0x1;
	s19 =	simm.s32 $0x2;
	s20 =	simm.s32 $0x3  }
0x18: {  	s21 =	simm.s32 $0x4;
	s22 =	simm.s32 $0x5;
	s23 =	simm.s32 $0x6  }
0x19: {  	s24 =	simm.s32 $0x7;
	s26 =	simm.s32 $0x8;
	s5 =	simm.s32 $0x0  }
.LBB2_1:
0x1a: {  	[dreg:$0x16] =	wrdreg s5  }
0x1b: {  	s0 =	sshrl.u32 @!p0 s3, $0x3;
	s2 =	simm.s32 @!p0 $0x1C0B;
	s5 =	rddreg [dreg:$0x8]  }
0x1c: {  	[spmem:s0], [sflag:s2] =	dma.local @!p0 [hbm:s5], $0x4000  }
0x1d: {  	s0 =	simm.s32 @!p0 $0xB  }
0x1e: {  	_ =	swait.ge @!p0 [sflag:s0], $0x4000  }
0x1f: {  	[sflag:s0] =	ssyncset.done @!p0 $0x0  }
0x20: {  	s5 =	sshrl.u32 @!p0 s4, $0x3;
	s6 =	rddreg [dreg:$0x9];
	[sflag:s0] =	ssyncadd.s32 @!p0 $0xFFFFC000  }
0x21: {  	[spmem:s5], [sflag:s2] =	dma.local @!p0 [hbm:s6], $0x2000  }
0x22: {  	_ =	swait.ge @!p0 [sflag:s0], $0x2000  }
0x23: {  	[sflag:s0] =	ssyncset.done @!p0 $0x0  }
0x24: {  	[sflag:s0] =	ssyncadd.s32 @!p0 $0xFFFFE000  }
0x25: {  	s5 =	rddreg [dreg:$0x5]  }
0x26: {  	s6 =	rddreg [dreg:$0xa];
	s5 =	sshrl.u32 @!p0 s5, $0x3  }
0x27: {  	[spmem:s5], [sflag:s2] =	dma.local @!p0 [hbm:s6], $0x2000  }
0x28: {  	_ =	swait.ge @!p0 [sflag:s0], $0x2000  }
0x29: {  	[sflag:s0] =	ssyncset.done @!p0 $0x0  }
0x2a: {  	[sflag:s0] =	ssyncadd.s32 @!p0 $0xFFFFE000  }
0x2b: {  	s5 =	rddreg [dreg:$0x6]  }
0x2c: {  	s6 =	rddreg [dreg:$0xb];
	s5 =	sshrl.u32 @!p0 s5, $0x3  }
0x2d: {  	[spmem:s5], [sflag:s2] =	dma.local @!p0 [hbm:s6], $0x40  }
0x2e: {  	_ =	swait.ge @!p0 [sflag:s0], $0x40  }
0x2f: {  	[sflag:s0] =	ssyncset.done @!p0 $0x0  }
0x30: {  	[sflag:s0] =	ssyncadd.s32 @!p0 $0xFFFFFFC0  }
0x31: {  	[bflag:$0x0] =	sbarrier.arrive $0xFFFF  }
0x32: {  	s2 =	rddreg [dreg:$0xc]  }
0x33: {  	[tilespmem:s7], [sflag:$0xB] =	stream.linear.gather [hbm4b:s2+s7], $0x400, $0x38;
	[tilespmem:$0x18420] =	vst v63  }
0x34: {  	s2 =	simm.s32 $0xB  }
0x35: {  	_ =	swait.ge [sflag:s2], $0x400  }
0x36: {  	[sflag:s2] =	ssyncset.done $0x0  }
0x37: {  	s6 =	simm.s32 $0x400;
	s5 =	rddreg [dreg:$0xd];
	[sflag:s2] =	ssyncadd.s32 $0xFFFFFC00  }
0x38: {  	[tilespmem:s6], [sflag:$0xB] =	stream.linear.gather [hbm4b:s5+s7], $0x400, $0x38;
	[tilespmem:$0x18420] =	vst v63  }
0x39: {  	_ =	swait.ge [sflag:s2], $0x400  }
0x3a: {  	[sflag:s2] =	ssyncset.done $0x0  }
0x3b: {  	s6 =	simm.s32 $0x800;
	s5 =	rddreg [dreg:$0xe];
	[sflag:s2] =	ssyncadd.s32 $0xFFFFFC00  }
0x3c: {  	[tilespmem:s6], [sflag:$0xB] =	stream.linear.gather [hbm4b:s5+s7], $0x400, $0x38;
	[tilespmem:$0x18420] =	vst v63  }
0x3d: {  	_ =	swait.ge [sflag:s2], $0x400  }
0x3e: {  	[sflag:s2] =	ssyncset.done $0x0  }
0x3f: {  	s6 =	simm.s32 $0xC00;
	s5 =	rddreg [dreg:$0xf];
	[sflag:s2] =	ssyncadd.s32 $0xFFFFFC00  }
0x40: {  	[tilespmem:s6], [sflag:$0xB] =	stream.linear.gather [hbm4b:s5+s7], $0x400, $0x38;
	[tilespmem:$0x18420] =	vst v63  }
0x41: {  	_ =	swait.ge [sflag:s2], $0x400  }
0x42: {  	[sflag:s2] =	ssyncset.done $0x0  }
0x43: {  	s6 =	simm.s32 $0x1000;
	s5 =	rddreg [dreg:$0x10];
	[sflag:s2] =	ssyncadd.s32 $0xFFFFFC00  }
0x44: {  	[tilespmem:s6], [sflag:$0xB] =	stream.linear.gather [hbm4b:s5+s7], $0x400, $0x38;
	[tilespmem:$0x18420] =	vst v63  }
0x45: {  	_ =	swait.ge [sflag:s2], $0x400  }
0x46: {  	[sflag:s2] =	ssyncset.done $0x0  }
0x47: {  	s6 =	simm.s32 $0x1400;
	s5 =	rddreg [dreg:$0x11];
	[sflag:s2] =	ssyncadd.s32 $0xFFFFFC00  }
0x48: {  	[tilespmem:s6], [sflag:$0xB] =	stream.linear.gather [hbm4b:s5+s7], $0x400, $0x38;
	[tilespmem:$0x18420] =	vst v63  }
0x49: {  	_ =	swait.ge [sflag:s2], $0x400  }
0x4a: {  	[sflag:s2] =	ssyncset.done $0x0  }
0x4b: {  	s6 =	simm.s32 $0x1800;
	s5 =	rddreg [dreg:$0x12];
	[sflag:s2] =	ssyncadd.s32 $0xFFFFFC00  }
0x4c: {  	[tilespmem:s6], [sflag:$0xB] =	stream.linear.gather [hbm4b:s5+s7], $0x400, $0x38;
	[tilespmem:$0x18420] =	vst v63  }
0x4d: {  	_ =	swait.ge [sflag:s2], $0x400  }
0x4e: {  	[sflag:s2] =	ssyncset.done $0x0  }
0x4f: {  	s6 =	simm.s32 $0x1C00;
	s5 =	rddreg [dreg:$0x13];
	[sflag:s2] =	ssyncadd.s32 $0xFFFFFC00  }
0x50: {  	[tilespmem:s6], [sflag:$0xB] =	stream.linear.gather [hbm4b:s5+s7], $0x400, $0x38;
	[tilespmem:$0x18420] =	vst v63  }
0x51: {  	_ =	swait.ge [sflag:s2], $0x400  }
0x52: {  	[sflag:s2] =	ssyncset.done $0x0  }
0x53: {  	s6 =	simm.s32 $0x2000;
	s5 =	rddreg [dreg:$0x14];
	[sflag:s2] =	ssyncadd.s32 $0xFFFFFC00  }
0x54: {  	[tilespmem:s6], [sflag:$0xB] =	stream.linear.gather [hbm4b:s5+s7], $0x400, $0x38;
	[tilespmem:$0x18420] =	vst v63  }
0x55: {  	_ =	swait.ge [sflag:s2], $0x400  }
0x56: {  	[sflag:s2] =	ssyncset.done $0x0  }
0x57: {  	s0 =	simm.s32 $0x0;
	[sflag:s2] =	ssyncadd.s32 $0xFFFFFC00  }
.LBB2_2:
0x58: {  	p1 =	seq.s32 s0, $0x0  }
0x59: {  	s2 =	simm.s32 @!p1 $0xA  }
0x5a: {  	_ =	swait.ge @!p1 [sflag:s2], $0x2000  }
0x5b: {  	[sflag:s2] =	ssyncset.done @!p1 $0x0  }
0x5c: {  	[sflag:s2] =	ssyncadd.s32 @!p1 $0xFFFFE000  }
0x5d: {  	_ =	swait.ge @!p1 [sflag:s2], $0x2000  }
0x5e: {  	[sflag:s2] =	ssyncset.done @!p1 $0x0  }
0x5f: {  	[sflag:s2] =	ssyncadd.s32 @!p1 $0xFFFFE000  }
0x60: {  	_ =	swait.ge @!p1 [sflag:s2], $0x2000  }
0x61: {  	[sflag:s2] =	ssyncset.done @!p1 $0x0  }
0x62: {  	[sflag:s2] =	ssyncadd.s32 @!p1 $0xFFFFE000  }
0x63: {  	_ =	swait.ge @!p1 [sflag:s2], $0x2000  }
0x64: {  	[sflag:s2] =	ssyncset.done @!p1 $0x0  }
0x65: {  	[sflag:s2] =	ssyncadd.s32 @!p1 $0xFFFFE000  }
0x66: {  	_ =	swait.ge @!p1 [sflag:s2], $0x2000  }
0x67: {  	[sflag:s2] =	ssyncset.done @!p1 $0x0  }
0x68: {  	s5 =	sshll.u32 s0, $0x6;
	[sflag:s2] =	ssyncadd.s32 @!p1 $0xFFFFE000  }
0x69: {  	[tilespmem:s30], [sflag:$0x1] =	stream.indirect.gather [spmem:s3], $0x80, s5, s29, $0xb8;
	[tilespmem:$0x18420] =	vst v63  }
0x6a: {  	s6 =	sadd.s32 $0x400, s5  }
0x6b: {  	[tilespmem:s31], [sflag:$0x2] =	stream.indirect.gather [spmem:s4], $0x80, s6, s29, $0xb8;
	[tilespmem:$0x18420] =	vst v63  }
0x6c: {  	s2 =	sadd.s32 $0x800, s5;
	s6 =	rddreg [dreg:$0x1]  }
0x6d: {  	[tilespmem:s1], [sflag:$0x3] =	stream.indirect.gather [hbm4b:s6+s29], $0x80, s2, s29, $0xb8;
	[tilespmem:$0x18420] =	vst v63  }
0x6e: {  	s6 =	sadd.s32 $0xC00, s5  }
0x6f: {  	[tilespmem:s8], [sflag:$0x4] =	stream.indirect.gather [spmem:s4], $0x80, s6, s29, $0xb8;
	[tilespmem:$0x18420] =	vst v63  }
0x70: {  	s2 =	sadd.s32 $0x1000, s5;
	s6 =	rddreg [dreg:$0x5]  }
0x71: {  	[tilespmem:s9], [sflag:$0x5] =	stream.indirect.gather [spmem:s6], $0x80, s2, s29, $0xb8;
	[tilespmem:$0x18420] =	vst v63  }
0x72: {  	s6 =	sadd.s32 $0x1400, s5  }
0x73: {  	[tilespmem:s10], [sflag:$0x6] =	stream.indirect.gather [spmem:s3], $0x80, s6, s29, $0xb8;
	[tilespmem:$0x18420] =	vst v63  }
0x74: {  	s6 =	sadd.s32 $0x1800, s5  }
0x75: {  	[tilespmem:s11], [sflag:$0x7] =	stream.indirect.gather [spmem:s4], $0x80, s6, s29, $0xb8;
	[tilespmem:$0x18420] =	vst v63  }
0x76: {  	s2 =	sadd.s32 $0x1C00, s5;
	s6 =	rddreg [dreg:$0x6]  }
0x77: {  	[tilespmem:s16], [sflag:$0x8] =	stream.indirect.gather [spmem:s6], $0x80, s2, s29, $0xb8;
	[tilespmem:$0x18420] =	vst v63  }
0x78: {  	s6 =	sadd.s32 $0x2000, s5  }
0x79: {  	[tilespmem:s17], [sflag:$0x9] =	stream.indirect.gather [spmem:s4], $0x80, s6, s29, $0xb8;
	[tilespmem:$0x18420] =	vst v63  }
0x7a: {  	_ =	swait.ge [sflag:s18], $0x2000  }
0x7b: {  	[sflag:s18] =	ssyncset.done $0x0  }
0x7c: {  	[sflag:s18] =	ssyncadd.s32 $0xFFFFE000  }
0x7d: {  	_ =	swait.ge [sflag:s19], $0x2000  }
0x7e: {  	[sflag:s19] =	ssyncset.done $0x0  }
0x7f: {  	s5 =	simm.s32 $0x0;
	s2 =	simm.s32 $0x200;
	[sflag:s19] =	ssyncadd.s32 $0xFFFFE000  }
.LBB2_3:
0x80: {  	p1 =	sne.s32 s2, $0x7E00;
	v0 =	vld [tilespmem:s5+$0x8490]  }
0x81: {  	v1 =	vld [tilespmem:s5+$0x8420]  }
0x82: {  	v2 =	vld [tilespmem:s5+$0x8430]  }
0x83: {  	v3 =	vld [tilespmem:s5+$0x8440]  }
0x84: {  	v4 =	vld [tilespmem:s5+$0x8450]  }
0x85: {  	[tilespmem:s5+$0x6490] =	vst.add.f32.msk $0xffff, v0  }
0x86: {  	v0 =	vld [tilespmem:s5+$0x8460]  }
0x87: {  	v5 =	vld [tilespmem:s5+$0x8470]  }
0x88: {  	v6 =	vld [tilespmem:s5+$0x8480]  }
0x89: {  	[tilespmem:s5+$0x6420] =	vst.add.f32.msk $0xffff, v1  }
0x8a: {  	[tilespmem:s5+$0x6430] =	vst.add.f32.msk $0xffff, v2  }
.Ltmp0:
0x8b: {  	[tilespmem:s5+$0x6440] =	vst.add.f32.msk $0xffff, v3;
	(pc) =	sbr.rel @p1 .LBB2_3-.Ltmp0, $4  }
0x8c: {  	[tilespmem:s5+$0x6450] =	vst.add.f32.msk $0xffff, v4  }
0x8d: {  	[tilespmem:s5+$0x6460] =	vst.add.f32.msk $0xffff, v0  }
0x8e: {  	[tilespmem:s5+$0x6470] =	vst.add.f32.msk $0xffff, v5  }
0x8f: {  	[tilespmem:s5+$0x6480] =	vst.add.f32.msk $0xffff, v6;
	s5 =	sshra.s32 s2, $0x2;
	s2 =	sadd.s32 $0x200, s2  }
0x90: {  	v0 =	vld [tilespmem:s5+$0x8490]  }
0x91: {  	v1 =	vld [tilespmem:s5+$0x8420]  }
0x92: {  	v2 =	vld [tilespmem:s5+$0x8430]  }
0x93: {  	v3 =	vld [tilespmem:s5+$0x8440]  }
0x94: {  	v4 =	vld [tilespmem:s5+$0x8450]  }
0x95: {  	v63 =	vld [tilespmem:s5+$0x8460]  }
0x96: {  	v5 =	vld [tilespmem:s5+$0x8470]  }
0x97: {  	v6 =	vld [tilespmem:s5+$0x8480]  }
0x98: {  	[tilespmem:s5+$0x6490] =	vst.add.f32.msk $0xffff, v0  }
0x99: {  	[tilespmem:s5+$0x6420] =	vst.add.f32.msk $0xffff, v1  }
0x9a: {  	[tilespmem:s5+$0x6430] =	vst.add.f32.msk $0xffff, v2  }
0x9b: {  	[tilespmem:s5+$0x6440] =	vst.add.f32.msk $0xffff, v3  }
0x9c: {  	s2 =	sshll.u32 s0, $0xD;
	[tilespmem:s5+$0x6450] =	vst.add.f32.msk $0xffff, v4  }
0x9d: {  	s2 =	sadd.s32 s25, s2;
	[tilespmem:s5+$0x6460] =	vst.add.f32.msk $0xffff, v63  }
0x9e: {  	s6 =	rddreg [dreg:$0x2];
	s2 =	sshrl.u32 s2, $0x3;
	[tilespmem:s5+$0x6470] =	vst.add.f32.msk $0xffff, v5  }
0x9f: {  	[tilespmem:s5+$0x6480] =	vst.add.f32.msk $0xffff, v6;
	s5 =	sadd.s32 s6, s2;
	s6 =	simm.s32 $0x0  }
0xa0: {  	[hbm4b:s5+s6] =	stream.linear.scatter [tilespmem:s30], [sflag:$0xA], $0x2000, $0x38;
	[tilespmem:$0x18420] =	vst v63  }
0xa1: {  	_ =	swait.ge [sflag:s20], $0x2000  }
0xa2: {  	[sflag:s20] =	ssyncset.done $0x0  }
0xa3: {  	s5 =	sadd.s32 s12, s2;
	[sflag:s20] =	ssyncadd.s32 $0xFFFFE000  }
0xa4: {  	[hbm4b:s5+s6] =	stream.linear.scatter [tilespmem:s1], [sflag:$0xA], $0x2000, $0x38;
	[tilespmem:$0x18420] =	vst v63  }
0xa5: {  	_ =	swait.ge [sflag:s21], $0x2000  }
0xa6: {  	[sflag:s21] =	ssyncset.done $0x0  }
0xa7: {  	s5 =	sadd.s32 s13, s2;
	[sflag:s21] =	ssyncadd.s32 $0xFFFFE000  }
0xa8: {  	[hbm4b:s5+s6] =	stream.linear.scatter [tilespmem:s8], [sflag:$0xA], $0x2000, $0x38;
	[tilespmem:$0x18420] =	vst v63  }
0xa9: {  	_ =	swait.ge [sflag:s22], $0x2000  }
0xaa: {  	[sflag:s22] =	ssyncset.done $0x0  }
0xab: {  	[sflag:s22] =	ssyncadd.s32 $0xFFFFE000  }
0xac: {  	_ =	swait.ge [sflag:s23], $0x2000  }
0xad: {  	[sflag:s23] =	ssyncset.done $0x0  }
0xae: {  	s5 =	simm.s32 $0x0;
	s6 =	simm.s32 $0x200;
	[sflag:s23] =	ssyncadd.s32 $0xFFFFE000  }
.LBB2_5:
0xaf: {  	p1 =	sne.s32 s6, $0x7E00;
	v0 =	vld [tilespmem:s5+$0x10490]  }
0xb0: {  	v1 =	vld [tilespmem:s5+$0x10420]  }
0xb1: {  	v2 =	vld [tilespmem:s5+$0x10430]  }
0xb2: {  	v3 =	vld [tilespmem:s5+$0x10440]  }
0xb3: {  	v4 =	vld [tilespmem:s5+$0x10450]  }
0xb4: {  	[tilespmem:s5+$0xE490] =	vst.add.f32.msk $0xffff, v0  }
0xb5: {  	v0 =	vld [tilespmem:s5+$0x10460]  }
0xb6: {  	v5 =	vld [tilespmem:s5+$0x10470]  }
0xb7: {  	v6 =	vld [tilespmem:s5+$0x10480]  }
0xb8: {  	[tilespmem:s5+$0xE420] =	vst.add.f32.msk $0xffff, v1  }
0xb9: {  	[tilespmem:s5+$0xE430] =	vst.add.f32.msk $0xffff, v2  }
.Ltmp1:
0xba: {  	[tilespmem:s5+$0xE440] =	vst.add.f32.msk $0xffff, v3;
	(pc) =	sbr.rel @p1 .LBB2_5-.Ltmp1, $4  }
0xbb: {  	[tilespmem:s5+$0xE450] =	vst.add.f32.msk $0xffff, v4  }
0xbc: {  	[tilespmem:s5+$0xE460] =	vst.add.f32.msk $0xffff, v0  }
0xbd: {  	[tilespmem:s5+$0xE470] =	vst.add.f32.msk $0xffff, v5  }
0xbe: {  	[tilespmem:s5+$0xE480] =	vst.add.f32.msk $0xffff, v6;
	s5 =	sshra.s32 s6, $0x2;
	s6 =	sadd.s32 $0x200, s6  }
0xbf: {  	v0 =	vld [tilespmem:s5+$0x10490]  }
0xc0: {  	v1 =	vld [tilespmem:s5+$0x10420]  }
0xc1: {  	v2 =	vld [tilespmem:s5+$0x10430]  }
0xc2: {  	v3 =	vld [tilespmem:s5+$0x10440]  }
0xc3: {  	v4 =	vld [tilespmem:s5+$0x10450]  }
0xc4: {  	v63 =	vld [tilespmem:s5+$0x10460]  }
0xc5: {  	v5 =	vld [tilespmem:s5+$0x10470]  }
0xc6: {  	v6 =	vld [tilespmem:s5+$0x10480]  }
0xc7: {  	[tilespmem:s5+$0xE490] =	vst.add.f32.msk $0xffff, v0  }
0xc8: {  	[tilespmem:s5+$0xE420] =	vst.add.f32.msk $0xffff, v1  }
0xc9: {  	[tilespmem:s5+$0xE430] =	vst.add.f32.msk $0xffff, v2  }
0xca: {  	[tilespmem:s5+$0xE440] =	vst.add.f32.msk $0xffff, v3  }
0xcb: {  	[tilespmem:s5+$0xE450] =	vst.add.f32.msk $0xffff, v4  }
0xcc: {  	[tilespmem:s5+$0xE460] =	vst.add.f32.msk $0xffff, v63  }
0xcd: {  	[tilespmem:s5+$0xE470] =	vst.add.f32.msk $0xffff, v5  }
0xce: {  	[tilespmem:s5+$0xE480] =	vst.add.f32.msk $0xffff, v6  }
0xcf: {  	_ =	swait.ge [sflag:s24], $0x2000  }
0xd0: {  	[sflag:s24] =	ssyncset.done $0x0  }
0xd1: {  	s6 =	simm.s32 $0x200;
	s5 =	simm.s32 $0x0;
	[sflag:s24] =	ssyncadd.s32 $0xFFFFE000  }
.LBB2_7:
0xd2: {  	p1 =	sne.s32 s6, $0x7E00;
	v0 =	vld [tilespmem:s5+$0x12490]  }
0xd3: {  	v1 =	vld [tilespmem:s5+$0x12420]  }
0xd4: {  	v2 =	vld [tilespmem:s5+$0x12430]  }
0xd5: {  	v3 =	vld [tilespmem:s5+$0x12440]  }
0xd6: {  	v4 =	vld [tilespmem:s5+$0x12450]  }
0xd7: {  	[tilespmem:s5+$0xE490] =	vst.add.f32.msk $0xffff, v0  }
0xd8: {  	v0 =	vld [tilespmem:s5+$0x12460]  }
0xd9: {  	v5 =	vld [tilespmem:s5+$0x12470]  }
0xda: {  	v6 =	vld [tilespmem:s5+$0x12480]  }
0xdb: {  	[tilespmem:s5+$0xE420] =	vst.add.f32.msk $0xffff, v1  }
0xdc: {  	[tilespmem:s5+$0xE430] =	vst.add.f32.msk $0xffff, v2  }
.Ltmp2:
0xdd: {  	[tilespmem:s5+$0xE440] =	vst.add.f32.msk $0xffff, v3;
	(pc) =	sbr.rel @p1 .LBB2_7-.Ltmp2, $4  }
0xde: {  	[tilespmem:s5+$0xE450] =	vst.add.f32.msk $0xffff, v4  }
0xdf: {  	[tilespmem:s5+$0xE460] =	vst.add.f32.msk $0xffff, v0  }
0xe0: {  	[tilespmem:s5+$0xE470] =	vst.add.f32.msk $0xffff, v5  }
0xe1: {  	[tilespmem:s5+$0xE480] =	vst.add.f32.msk $0xffff, v6;
	s5 =	sshra.s32 s6, $0x2;
	s6 =	sadd.s32 $0x200, s6  }
0xe2: {  	v0 =	vld [tilespmem:s5+$0x12490]  }
0xe3: {  	v1 =	vld [tilespmem:s5+$0x12420]  }
0xe4: {  	v2 =	vld [tilespmem:s5+$0x12430]  }
0xe5: {  	v3 =	vld [tilespmem:s5+$0x12440]  }
0xe6: {  	v4 =	vld [tilespmem:s5+$0x12450]  }
0xe7: {  	v63 =	vld [tilespmem:s5+$0x12460]  }
0xe8: {  	v5 =	vld [tilespmem:s5+$0x12470]  }
0xe9: {  	v6 =	vld [tilespmem:s5+$0x12480]  }
0xea: {  	[tilespmem:s5+$0xE490] =	vst.add.f32.msk $0xffff, v0  }
0xeb: {  	[tilespmem:s5+$0xE420] =	vst.add.f32.msk $0xffff, v1  }
0xec: {  	[tilespmem:s5+$0xE430] =	vst.add.f32.msk $0xffff, v2  }
0xed: {  	[tilespmem:s5+$0xE440] =	vst.add.f32.msk $0xffff, v3  }
0xee: {  	[tilespmem:s5+$0xE450] =	vst.add.f32.msk $0xffff, v4  }
0xef: {  	[tilespmem:s5+$0xE460] =	vst.add.f32.msk $0xffff, v63  }
0xf0: {  	[tilespmem:s5+$0xE470] =	vst.add.f32.msk $0xffff, v5  }
0xf1: {  	s6 =	simm.s32 $0x0;
	[tilespmem:s5+$0xE480] =	vst.add.f32.msk $0xffff, v6;
	s5 =	sadd.s32 s14, s2  }
0xf2: {  	[hbm4b:s5+s6] =	stream.linear.scatter [tilespmem:s9], [sflag:$0xA], $0x2000, $0x38;
	[tilespmem:$0x18420] =	vst v63  }
0xf3: {  	_ =	swait.ge [sflag:s26], $0x2000  }
0xf4: {  	[sflag:s26] =	ssyncset.done $0x0  }
0xf5: {  	[sflag:s26] =	ssyncadd.s32 $0xFFFFE000  }
0xf6: {  	_ =	swait.ge [sflag:s28], $0x2000  }
0xf7: {  	[sflag:s28] =	ssyncset.done $0x0  }
0xf8: {  	s5 =	simm.s32 $0x0;
	s6 =	simm.s32 $0x200;
	[sflag:s28] =	ssyncadd.s32 $0xFFFFE000  }
.LBB2_9:
0xf9: {  	p1 =	sne.s32 s6, $0x7E00;
	v0 =	vld [tilespmem:s5+$0x16490]  }
0xfa: {  	v1 =	vld [tilespmem:s5+$0x16420]  }
0xfb: {  	v2 =	vld [tilespmem:s5+$0x16430]  }
0xfc: {  	v3 =	vld [tilespmem:s5+$0x16440]  }
0xfd: {  	v4 =	vld [tilespmem:s5+$0x16450]  }
0xfe: {  	[tilespmem:s5+$0x14490] =	vst.add.f32.msk $0xffff, v0  }
0xff: {  	v0 =	vld [tilespmem:s5+$0x16460]  }
0x100: {  	v5 =	vld [tilespmem:s5+$0x16470]  }
0x101: {  	v6 =	vld [tilespmem:s5+$0x16480]  }
0x102: {  	[tilespmem:s5+$0x14420] =	vst.add.f32.msk $0xffff, v1  }
0x103: {  	[tilespmem:s5+$0x14430] =	vst.add.f32.msk $0xffff, v2  }
.Ltmp3:
0x104: {  	[tilespmem:s5+$0x14440] =	vst.add.f32.msk $0xffff, v3;
	(pc) =	sbr.rel @p1 .LBB2_9-.Ltmp3, $4  }
0x105: {  	[tilespmem:s5+$0x14450] =	vst.add.f32.msk $0xffff, v4  }
0x106: {  	[tilespmem:s5+$0x14460] =	vst.add.f32.msk $0xffff, v0  }
0x107: {  	[tilespmem:s5+$0x14470] =	vst.add.f32.msk $0xffff, v5  }
0x108: {  	[tilespmem:s5+$0x14480] =	vst.add.f32.msk $0xffff, v6;
	s5 =	sshra.s32 s6, $0x2;
	s6 =	sadd.s32 $0x200, s6  }
0x109: {  	v0 =	vld [tilespmem:s5+$0x16490]  }
0x10a: {  	v1 =	vld [tilespmem:s5+$0x16420]  }
0x10b: {  	v2 =	vld [tilespmem:s5+$0x16430]  }
0x10c: {  	v3 =	vld [tilespmem:s5+$0x16440]  }
0x10d: {  	v4 =	vld [tilespmem:s5+$0x16450]  }
0x10e: {  	v63 =	vld [tilespmem:s5+$0x16460]  }
0x10f: {  	v5 =	vld [tilespmem:s5+$0x16470]  }
0x110: {  	v6 =	vld [tilespmem:s5+$0x16480]  }
0x111: {  	[tilespmem:s5+$0x14490] =	vst.add.f32.msk $0xffff, v0  }
0x112: {  	[tilespmem:s5+$0x14420] =	vst.add.f32.msk $0xffff, v1  }
0x113: {  	s0 =	sadd.s32 $0x1, s0;
	[tilespmem:s5+$0x14430] =	vst.add.f32.msk $0xffff, v2  }
0x114: {  	p1 =	sne.s32 s0, $0xA;
	[tilespmem:s5+$0x14440] =	vst.add.f32.msk $0xffff, v3  }
.Ltmp4:
0x115: {  	[tilespmem:s5+$0x14450] =	vst.add.f32.msk $0xffff, v4;
	(pc) =	sbr.rel @p1 .LBB2_2-.Ltmp4, $4  }
0x116: {  	[tilespmem:s5+$0x14460] =	vst.add.f32.msk $0xffff, v63  }
0x117: {  	[tilespmem:s5+$0x14470] =	vst.add.f32.msk $0xffff, v5  }
0x118: {  	s2 =	sadd.s32 s15, s2;
	[tilespmem:s5+$0x14480] =	vst.add.f32.msk $0xffff, v6  }
0x119: {  	[hbm4b:s2+s7] =	stream.linear.scatter [tilespmem:s16], [sflag:$0xA], $0x2000, $0x38;
	[tilespmem:$0x18420] =	vst v63  }
0x11a: {  	s2 =	simm.s32 $0xA  }
0x11b: {  	_ =	swait.ge [sflag:s2], $0x2000  }
0x11c: {  	[sflag:s2] =	ssyncset.done $0x0  }
0x11d: {  	[sflag:s2] =	ssyncadd.s32 $0xFFFFE000  }
0x11e: {  	_ =	swait.ge [sflag:s2], $0x2000  }
0x11f: {  	[sflag:s2] =	ssyncset.done $0x0  }
0x120: {  	[sflag:s2] =	ssyncadd.s32 $0xFFFFE000  }
0x121: {  	_ =	swait.ge [sflag:s2], $0x2000  }
0x122: {  	[sflag:s2] =	ssyncset.done $0x0  }
0x123: {  	[sflag:s2] =	ssyncadd.s32 $0xFFFFE000  }
0x124: {  	_ =	swait.ge [sflag:s2], $0x2000  }
0x125: {  	[sflag:s2] =	ssyncset.done $0x0  }
0x126: {  	[sflag:s2] =	ssyncadd.s32 $0xFFFFE000  }
0x127: {  	_ =	swait.ge [sflag:s2], $0x2000  }
0x128: {  	s5 =	rddreg [dreg:$0x16]  }
0x129: {  	s0 =	rddreg [dreg:$0x15];
	s5 =	sadd.s32 $0x1, s5  }
0x12a: {  	p1 =	sne.s32 s5, s0  }
.Ltmp5:
0x12b: {  	_ = 	snop;
	(pc) =	sbr.rel @p1 .LBB2_1-.Ltmp5, $3  }
0x12c: {  	_ =	sdelay $0x1  }
0x12d: {  	[sflag:s2] =	ssyncset.done $0x0  }
0x12e: {  	[sflag:s2] =	ssyncadd.s32 $0xFFFFE000  }
0x12f: {  	_ =	sfence.sel $0x180000  }
0x130: {  	[bflag:$0x0] =	sbarrier.arrive $0xFFFF  }
0x131: {  	_ =	strace $0x90000047  }
0x132: {  	[bflag:$0x2] =	sbarrier.arrive $0xFFFF  }
0x133: {  	s0 =	rddreg [dreg:$0x7]  }
0x134: {  	s0 =	sadd.s32 @!p0 $0x100000, s0  }
0x135: {  	[sflag:s0] =	ssyncadd.tile.s32 @!p0 $0x1;
	_ =	shalt  }
.Lfunc_end2:
_tile_overlayer_lowered:
.L_overlay_start_2:
0x136: {  	(tag) =	ssettag $0x2  }
0x137: {  	s0 =	rddreg [dreg:$0x0];
	s2 =	stileid.u32  }
0x138: {  	s1 =	rddreg [dreg:$0x1];
	p0 =	sne.s32 s2, $0x0  }
0x139: {  	s3 =	rddreg [dreg:$0x2];
	[bflag:$0x3] =	sbarrier.arrive $0xFFFF;
	s2 =	simm.s32 @!p0 $0x1C0B  }
0x13a: {  	[timem:s3], [sflag:s2] =	dma.local @!p0 [hbm:s0], s1  }
0x13b: {  	s0 =	simm.s32 @!p0 $0xB  }
0x13c: {  	_ =	swait.ge @!p0 [sflag:s0], s1  }
0x13d: {  	s1 =	ssub.s32 @!p0 $0x0, s1;
	[sflag:s0] =	ssyncset.done @!p0 $0x0  }
0x13e: {  	[sflag:s0] =	ssyncadd.s32 @!p0 s1  }
0x13f: {  	[bflag:$0x3] =	sbarrier.arrive $0xFFFF  }
0x140: {  	_ =	shalt  }

</sc_bundles>
